<compile_context>
chip_gen: v7x
topology: tpu7x:2x2x1
jax: 0.10.2.dev20260603
libtpu: 0.0.44.dev20260713+nightly
codegen_flags: <defaults>
</compile_context>

<pallas_src>
import jax
import jax.numpy as jnp
from jax import lax
from jax.experimental import pallas as pl
from jax.experimental.pallas import tpu as pltpu
from jax.experimental.pallas import tpu_sc as plsc

_NUM_EMB = 100000
_NUM_NEW = 1024
_TABLE = _NUM_EMB + _NUM_NEW
_FEATURES = 128
_BATCH = 16384
_HIST = 50
_HPAD = 56

_NC, _NS = 2, 16
_NW = _NC * _NS
_BT_PER_W = _BATCH // _NW
_KB = 4
_GRP = _BT_PER_W // _KB
_ROWS = _KB * _HIST

_CP_CH = _NUM_EMB // _ROWS
_CP_SLOTS = 32
_NEW_CH = _NUM_NEW // _ROWS
_NEW_TAIL = _NUM_NEW - _NEW_CH * _ROWS

_NBUF = 3


def _gather_body(x_hbm, emb_hbm, new_hbm, out_hbm, table_s, idx_v, bufs,
                 gsems, osems):
    c = lax.axis_index("c")
    s = lax.axis_index("s")
    wid = s * _NC + c
    bt0 = wid * _BT_PER_W

    pltpu.sync_copy(x_hbm.at[pl.ds(bt0 * _HPAD, _BT_PER_W * _HPAD)], idx_v)

    def p0_wait_in(b):
        pltpu.make_async_copy(
            emb_hbm.at[pl.ds(0, _ROWS)], bufs[b], gsems[b]).wait()

    def p0_wait_out(b):
        pltpu.make_async_copy(
            bufs[b], table_s.at[c, pl.ds(0, _ROWS)], osems[b]).wait()

    def p0_fire_in(j, b):
        pltpu.async_copy(emb_hbm.at[pl.ds(j * _ROWS, _ROWS)], bufs[b],
                         gsems[b])

    def p0_fire_out(j, b):
        pltpu.async_copy(bufs[b], table_s.at[c, pl.ds(j * _ROWS, _ROWS)],
                         osems[b])

    for b in range(_NBUF):
        p0_fire_in(s + 16 * b, b)

    def p0_body(kk, _):
        for b in range(_NBUF):
            k = kk * _NBUF + b
            j = s + 16 * k
            actn = (k + _NBUF < _CP_SLOTS - 1) | ((k + _NBUF == _CP_SLOTS - 1)
                                                  & (s < 4))
            p0_wait_in(b)
            p0_fire_out(j, b)

            @pl.when(actn)
            def _():
                p0_wait_out(b)
                p0_fire_in(s + 16 * (k + _NBUF), b)
        return 0

    lax.fori_loop(0, (_CP_SLOTS - 2) // _NBUF, p0_body, 0)
    p0_wait_in(0)
    p0_fire_out(s + 16 * (_CP_SLOTS - 2), 0)

    @pl.when(s < 4)
    def _():
        p0_wait_in(1)
        p0_fire_out(s + 16 * (_CP_SLOTS - 1), 1)

    for b in range(_NBUF):
        p0_wait_out(b)

    @pl.when(s < _NEW_CH)
    def _():
        pltpu.sync_copy(new_hbm.at[pl.ds(s * _ROWS, _ROWS)], bufs[0])
        pltpu.sync_copy(bufs[0],
                        table_s.at[c, pl.ds(_NUM_EMB + s * _ROWS, _ROWS)])

    @pl.when(s == _NEW_CH)
    def _():
        pltpu.sync_copy(new_hbm.at[pl.ds(_NEW_CH * _ROWS, _NEW_TAIL)],
                        bufs[0].at[pl.ds(0, _NEW_TAIL)])
        pltpu.sync_copy(
            bufs[0].at[pl.ds(0, _NEW_TAIL)],
            table_s.at[c, pl.ds(_NUM_EMB + _NEW_CH * _ROWS, _NEW_TAIL)])

    plsc.subcore_barrier()

    def wait_gather(b):
        pltpu.make_async_copy(
            table_s.at[c, pl.ds(0, _ROWS)], bufs[b], gsems[b]).wait()

    def wait_scatter(b):
        pltpu.make_async_copy(
            bufs[b], table_s.at[c, pl.ds(0, _ROWS)], osems[b]).wait()

    def fire_gather(g, b):
        for kb in range(_KB):
            i = g * _KB + kb
            pltpu.async_copy(
                table_s.at[c].at[idx_v.at[pl.ds(i * _HPAD, _HIST)]],
                bufs[b].at[pl.ds(kb * _HIST, _HIST)], gsems[b])

    def fire_scatter(g, b):
        for kb in range(_KB):
            pltpu.async_copy(bufs[b].at[pl.ds(kb * _HIST, _HIST)],
                             out_hbm.at[bt0 + g * _KB + kb], osems[b])

    for b in range(_NBUF):
        fire_gather(b, b)

    def body(gg, _):
        for b in range(_NBUF):
            g = gg * _NBUF + b
            wait_gather(b)
            fire_scatter(g, b)

            @pl.when(g + _NBUF < _GRP)
            def _():
                wait_scatter(b)
                fire_gather(g + _NBUF, b)
        return 0

    lax.fori_loop(0, _GRP // _NBUF, body, 0)
    for g, b in ((_GRP - 2, 0), (_GRP - 1, 1)):
        wait_gather(b)
        fire_scatter(g, b)
    for b in range(_NBUF):
        wait_scatter(b)


def kernel(x, embedding, new_embedding):
    xi = x.astype(jnp.int32)
    xpad = jnp.pad(xi, ((0, 0), (0, _HPAD - _HIST))).reshape(-1)

    mesh = plsc.VectorSubcoreMesh(core_axis_name="c", subcore_axis_name="s")
    run = pl.kernel(
        _gather_body,
        out_type=jax.ShapeDtypeStruct((_BATCH, _HIST, _FEATURES),
                                      jnp.float32),
        mesh=mesh,
        scratch_types=[
            pltpu.HBM((_NC, _TABLE, _FEATURES), jnp.float32),
            pltpu.VMEM((_BT_PER_W * _HPAD,), jnp.int32),
            tuple(pltpu.VMEM((_ROWS, _FEATURES), jnp.float32)
                  for _ in range(_NBUF)),
            tuple(pltpu.SemaphoreType.DMA for _ in range(_NBUF)),
            tuple(pltpu.SemaphoreType.DMA for _ in range(_NBUF)),
        ],
    )
    return run(xpad, embedding, new_embedding)

# --- scband reference (transcript-rebuilt; emitter-appended) ---
"""Pipeline reference for scband-molmo-act-embedding-74131135529329 (READ-ONLY COPY).

The authoritative reference and input builder live on the scoring server;
editing this copy changes nothing except your own understanding.
"""

import jax, jax.numpy as jnp
import numpy as np

NUM_EMB = 100000
NUM_NEW = 1024
FEATURES = 128
BATCH = 16384
HIST = 50


def setup_inputs(seed: int = 0) -> dict:
    key = jax.random.key(seed)
    k1, k2, k3 = jax.random.split(key, 3)
    x = jax.random.randint(k1, (BATCH, HIST), 0, NUM_EMB + NUM_NEW, dtype=jnp.int64) if jax.config.jax_enable_x64 else jax.random.randint(k1, (BATCH, HIST), 0, NUM_EMB + NUM_NEW, dtype=jnp.int32)
    embedding = jax.random.normal(k2, (NUM_EMB, FEATURES), dtype=jnp.float32) * 0.02
    new_embedding = jax.random.normal(k3, (NUM_NEW, FEATURES), dtype=jnp.float32) * 0.02
    return {"x": x, "embedding": embedding, "new_embedding": new_embedding}


def reference(x, embedding, new_embedding):
    # Faithful to MolmoActEmbedding.forward:
    #   F.embedding(x, torch.cat([embedding, new_embedding], dim=0))
    table = jnp.concatenate([embedding, new_embedding], axis=0)
    return jnp.take(table, x, axis=0)

if __name__ == "__main__":
    import jax
    _d = setup_inputs()
    print(jax.jit(kernel)(*tuple(_d.values())))

</pallas_src>

<mosaic_0001>
#map = affine_map<(d0, d1) -> (0)>
#map1 = affine_map<(d0, d1) -> (0, 0)>
#map2 = affine_map<(d0, d1) -> (0, 0, 0)>
module attributes {stable_mosaic.version = 14 : i64} {
  func.func @_gather_body(%arg0: i32, %arg1: i32, %arg2: memref<917504xi32, #tpu.memory_space<hbm>>, %arg3: memref<100000x128xf32, #tpu.memory_space<hbm>>, %arg4: memref<1024x128xf32, #tpu.memory_space<hbm>>, %arg5: memref<16384x50x128xf32, #tpu.memory_space<hbm>>, %arg6: memref<2x101024x128xf32, #tpu.memory_space<hbm>>, %arg7: memref<28672xi32, #tpu.memory_space<vmem>>, %arg8: memref<200x128xf32, #tpu.memory_space<vmem>>, %arg9: memref<200x128xf32, #tpu.memory_space<vmem>>, %arg10: memref<200x128xf32, #tpu.memory_space<vmem>>, %arg11: memref<!tpu.dma_semaphore, #tpu.memory_space<semaphore_mem>>, %arg12: memref<!tpu.dma_semaphore, #tpu.memory_space<semaphore_mem>>, %arg13: memref<!tpu.dma_semaphore, #tpu.memory_space<semaphore_mem>>, %arg14: memref<!tpu.dma_semaphore, #tpu.memory_space<semaphore_mem>>, %arg15: memref<!tpu.dma_semaphore, #tpu.memory_space<semaphore_mem>>, %arg16: memref<!tpu.dma_semaphore, #tpu.memory_space<semaphore_mem>>) attributes {dimension_semantics = [#tpu.dimension_semantics<core_parallel>, #tpu.dimension_semantics<subcore_parallel>], iteration_bounds = array<i64: 2, 16>, scalar_prefetch = 0 : i64, scratch_operands = 11 : i64, tpu.core_type = #tpu.core_type<sc_vector_subcore>, window_params = [{transform_indices = #map}, {transform_indices = #map1}, {transform_indices = #map1}, {transform_indices = #map2}]} {
    %mul3A = arith.constant 2 : i32
    %mul3A_0 = arith.muli %arg1, %mul3A : i32
    %add3A = arith.addi %mul3A_0, %arg0 : i32
    %mul3A_1 = arith.constant 512 : i32
    %mul3A_2 = arith.muli %add3A, %mul3A_1 : i32
    %mul3A_3 = arith.constant 56 : i32
    %mul3A_4 = arith.muli %mul3A_2, %mul3A_3 : i32
    "tpu.region"() ({
      %run_scoped3A = tpu.sem_alloc : memref<!tpu.dma_semaphore, #tpu.memory_space<semaphore_mem>>
      %dma_start3A_419 = tpu.memref_slice %arg2[%mul3A_4] : memref<917504xi32, #tpu.memory_space<hbm>> -> memref<28672xi32, #tpu.memory_space<hbm>>
      %dma_start3A_420 = tpu.memref_slice %arg2[%mul3A_4] : memref<917504xi32, #tpu.memory_space<hbm>> -> memref<28672xi32, #tpu.memory_space<hbm>>
      tpu.enqueue_dma source(%dma_start3A_420 : memref<28672xi32, #tpu.memory_space<hbm>>) target(%arg7 : memref<28672xi32, #tpu.memory_space<vmem>>) target_semaphore(%run_scoped3A : memref<!tpu.dma_semaphore, #tpu.memory_space<semaphore_mem>>)
      %dma_wait3A_421 = tpu.memref_slice %arg2[%mul3A_4] : memref<917504xi32, #tpu.memory_space<hbm>> -> memref<28672xi32, #tpu.memory_space<hbm>>
      %dma_wait3A_422 = tpu.memref_slice %arg2[%mul3A_4] : memref<917504xi32, #tpu.memory_space<hbm>> -> memref<28672xi32, #tpu.memory_space<hbm>>
      tpu.wait_dma2 semaphore(%run_scoped3A : memref<!tpu.dma_semaphore, #tpu.memory_space<semaphore_mem>>) src(%dma_wait3A_422 : memref<28672xi32, #tpu.memory_space<hbm>>) dst(%arg7 : memref<28672xi32, #tpu.memory_space<vmem>>)
      tpu.yield
    }) : () -> ()
    %add3A_5 = arith.constant 0 : i32
    %add3A_6 = arith.addi %arg1, %add3A_5 : i32
    %mul3A_7 = arith.constant 200 : i32
    %mul3A_8 = arith.muli %add3A_6, %mul3A_7 : i32
    %dma_start3A = arith.constant 0 : i32
    %dma_start3A_9 = tpu.memref_slice %arg3[%mul3A_8, %dma_start3A] : memref<100000x128xf32, #tpu.memory_space<hbm>> -> memref<200x128xf32, #tpu.memory_space<hbm>>
    %dma_start3A_10 = arith.constant 0 : i32
    %dma_start3A_11 = tpu.memref_slice %arg3[%mul3A_8, %dma_start3A_10] : memref<100000x128xf32, #tpu.memory_space<hbm>> -> memref<200x128xf32, #tpu.memory_space<hbm>>
    tpu.enqueue_dma source(%dma_start3A_11 : memref<200x128xf32, #tpu.memory_space<hbm>>) target(%arg8 : memref<200x128xf32, #tpu.memory_space<vmem>>) target_semaphore(%arg11 : memref<!tpu.dma_semaphore, #tpu.memory_space<semaphore_mem>>)
    %add3A_12 = arith.constant 16 : i32
    %add3A_13 = arith.addi %arg1, %add3A_12 : i32
    %mul3A_14 = arith.constant 200 : i32
    %mul3A_15 = arith.muli %add3A_13, %mul3A_14 : i32
    %dma_start3A_16 = arith.constant 0 : i32
    %dma_start3A_17 = tpu.memref_slice %arg3[%mul3A_15, %dma_start3A_16] : memref<100000x128xf32, #tpu.memory_space<hbm>> -> memref<200x128xf32, #tpu.memory_space<hbm>>
    %dma_start3A_18 = arith.constant 0 : i32
    %dma_start3A_19 = tpu.memref_slice %arg3[%mul3A_15, %dma_start3A_18] : memref<100000x128xf32, #tpu.memory_space<hbm>> -> memref<200x128xf32, #tpu.memory_space<hbm>>
    tpu.enqueue_dma source(%dma_start3A_19 : memref<200x128xf32, #tpu.memory_space<hbm>>) target(%arg9 : memref<200x128xf32, #tpu.memory_space<vmem>>) target_semaphore(%arg12 : memref<!tpu.dma_semaphore, #tpu.memory_space<semaphore_mem>>)
    %add3A_20 = arith.constant 32 : i32
    %add3A_21 = arith.addi %arg1, %add3A_20 : i32
    %mul3A_22 = arith.constant 200 : i32
    %mul3A_23 = arith.muli %add3A_21, %mul3A_22 : i32
    %dma_start3A_24 = arith.constant 0 : i32
    %dma_start3A_25 = tpu.memref_slice %arg3[%mul3A_23, %dma_start3A_24] : memref<100000x128xf32, #tpu.memory_space<hbm>> -> memref<200x128xf32, #tpu.memory_space<hbm>>
    %dma_start3A_26 = arith.constant 0 : i32
    %dma_start3A_27 = tpu.memref_slice %arg3[%mul3A_23, %dma_start3A_26] : memref<100000x128xf32, #tpu.memory_space<hbm>> -> memref<200x128xf32, #tpu.memory_space<hbm>>
    tpu.enqueue_dma source(%dma_start3A_27 : memref<200x128xf32, #tpu.memory_space<hbm>>) target(%arg10 : memref<200x128xf32, #tpu.memory_space<vmem>>) target_semaphore(%arg13 : memref<!tpu.dma_semaphore, #tpu.memory_space<semaphore_mem>>)
    %scan3A = arith.constant 0 : i32
    %scan3A_28 = arith.constant 0 : i32
    %scan3A_29 = arith.constant 10 : i32
    %scan3A_30 = arith.addi %scan3A_28, %scan3A_29 : i32
    %scan3A_31 = arith.constant 1 : i32
    %scan3A_32 = scf.for %scan3A_419 = %scan3A_28 to %scan3A_30 step %scan3A_31 iter_args(%scan3A_420 = %scan3A) -> (i32)  : i32 {
      %mul3A_421 = arith.constant 3 : i32
      %mul3A_422 = arith.muli %scan3A_419, %mul3A_421 : i32
      %add3A_423 = arith.constant 0 : i32
      %add3A_424 = arith.addi %mul3A_422, %add3A_423 : i32
      %mul3A_425 = arith.constant 16 : i32
      %mul3A_426 = arith.muli %mul3A_425, %add3A_424 : i32
      %add3A_427 = arith.addi %arg1, %mul3A_426 : i32
      %add3A_428 = arith.constant 3 : i32
      %add3A_429 = arith.addi %add3A_424, %add3A_428 : i32
      %lt3A_430 = arith.constant 31 : i32
      %lt3A_431 = arith.cmpi slt, %add3A_429, %lt3A_430 : i32
      %add3A_432 = arith.constant 3 : i32
      %add3A_433 = arith.addi %add3A_424, %add3A_432 : i32
      %eq3A_434 = arith.constant 31 : i32
      %eq3A_435 = arith.cmpi eq, %add3A_433, %eq3A_434 : i32
      %lt3A_436 = arith.constant 4 : i32
      %lt3A_437 = arith.cmpi slt, %arg1, %lt3A_436 : i32
      %and3A = arith.andi %eq3A_435, %lt3A_437 : i1
      %or3A = arith.ori %lt3A_431, %and3A : i1
      %dma_wait3A_438 = arith.constant 0 : i32
      %dma_wait3A_439 = arith.constant 0 : i32
      %dma_wait3A_440 = tpu.memref_slice %arg3[%dma_wait3A_438, %dma_wait3A_439] : memref<100000x128xf32, #tpu.memory_space<hbm>> -> memref<200x128xf32, #tpu.memory_space<hbm>>
      %dma_wait3A_441 = arith.constant 0 : i32
      %dma_wait3A_442 = arith.constant 0 : i32
      %dma_wait3A_443 = tpu.memref_slice %arg3[%dma_wait3A_441, %dma_wait3A_442] : memref<100000x128xf32, #tpu.memory_space<hbm>> -> memref<200x128xf32, #tpu.memory_space<hbm>>
      tpu.wait_dma2 semaphore(%arg11 : memref<!tpu.dma_semaphore, #tpu.memory_space<semaphore_mem>>) src(%dma_wait3A_443 : memref<200x128xf32, #tpu.memory_space<hbm>>) dst(%arg8 : memref<200x128xf32, #tpu.memory_space<vmem>>)
      %mul3A_444 = arith.constant 200 : i32
      %mul3A_445 = arith.muli %add3A_427, %mul3A_444 : i32
      %dma_start3A_446 = arith.constant 0 : i32
      %dma_start3A_447 = tpu.memref_slice %arg6[%arg0, %mul3A_445, %dma_start3A_446] : memref<2x101024x128xf32, #tpu.memory_space<hbm>> -> memref<1x200x128xf32, #tpu.memory_space<hbm>>
      %dma_start3A_448 = tpu.memref_squeeze %dma_start3A_447 : memref<1x200x128xf32, #tpu.memory_space<hbm>> -> memref<200x128xf32, #tpu.memory_space<hbm>>
      %dma_start3A_449 = arith.constant 0 : i32
      %dma_start3A_450 = tpu.memref_slice %arg6[%arg0, %mul3A_445, %dma_start3A_449] : memref<2x101024x128xf32, #tpu.memory_space<hbm>> -> memref<1x200x128xf32, #tpu.memory_space<hbm>>
      %dma_start3A_451 = tpu.memref_squeeze %dma_start3A_450 : memref<1x200x128xf32, #tpu.memory_space<hbm>> -> memref<200x128xf32, #tpu.memory_space<hbm>>
      tpu.enqueue_dma source(%arg8 : memref<200x128xf32, #tpu.memory_space<vmem>>) target(%dma_start3A_451 : memref<200x128xf32, #tpu.memory_space<hbm>>) target_semaphore(%arg14 : memref<!tpu.dma_semaphore, #tpu.memory_space<semaphore_mem>>)
      %convert_element_type3A_452 = arith.extui %or3A : i1 to i32
      %cond3A_453 = arith.constant 0 : i32
      %cond3A_454 = arith.cmpi ne, %convert_element_type3A_452, %cond3A_453 : i32
      scf.if %cond3A_454 {
        %dma_wait3A_528 = arith.constant 0 : i32
        %dma_wait3A_529 = arith.constant 0 : i32
        %dma_wait3A_530 = tpu.memref_slice %arg6[%arg0, %dma_wait3A_528, %dma_wait3A_529] : memref<2x101024x128xf32, #tpu.memory_space<hbm>> -> memref<1x200x128xf32, #tpu.memory_space<hbm>>
        %dma_wait3A_531 = tpu.memref_squeeze %dma_wait3A_530 : memref<1x200x128xf32, #tpu.memory_space<hbm>> -> memref<200x128xf32, #tpu.memory_space<hbm>>
        %dma_wait3A_532 = arith.constant 0 : i32
        %dma_wait3A_533 = arith.constant 0 : i32
        %dma_wait3A_534 = tpu.memref_slice %arg6[%arg0, %dma_wait3A_532, %dma_wait3A_533] : memref<2x101024x128xf32, #tpu.memory_space<hbm>> -> memref<1x200x128xf32, #tpu.memory_space<hbm>>
        %dma_wait3A_535 = tpu.memref_squeeze %dma_wait3A_534 : memref<1x200x128xf32, #tpu.memory_space<hbm>> -> memref<200x128xf32, #tpu.memory_space<hbm>>
        tpu.wait_dma2 semaphore(%arg14 : memref<!tpu.dma_semaphore, #tpu.memory_space<semaphore_mem>>) src(%arg8 : memref<200x128xf32, #tpu.memory_space<vmem>>) dst(%dma_wait3A_535 : memref<200x128xf32, #tpu.memory_space<hbm>>)
        %add3A_536 = arith.constant 3 : i32
        %add3A_537 = arith.addi %add3A_424, %add3A_536 : i32
        %mul3A_538 = arith.constant 16 : i32
        %mul3A_539 = arith.muli %mul3A_538, %add3A_537 : i32
        %add3A_540 = arith.addi %arg1, %mul3A_539 : i32
        %mul3A_541 = arith.constant 200 : i32
        %mul3A_542 = arith.muli %add3A_540, %mul3A_541 : i32
        %dma_start3A_543 = arith.constant 0 : i32
        %dma_start3A_544 = tpu.memref_slice %arg3[%mul3A_542, %dma_start3A_543] : memref<100000x128xf32, #tpu.memory_space<hbm>> -> memref<200x128xf32, #tpu.memory_space<hbm>>
        %dma_start3A_545 = arith.constant 0 : i32
        %dma_start3A_546 = tpu.memref_slice %arg3[%mul3A_542, %dma_start3A_545] : memref<100000x128xf32, #tpu.memory_space<hbm>> -> memref<200x128xf32, #tpu.memory_space<hbm>>
        tpu.enqueue_dma source(%dma_start3A_546 : memref<200x128xf32, #tpu.memory_space<hbm>>) target(%arg8 : memref<200x128xf32, #tpu.memory_space<vmem>>) target_semaphore(%arg11 : memref<!tpu.dma_semaphore, #tpu.memory_space<semaphore_mem>>)
      } else {
      }
      %mul3A_455 = arith.constant 3 : i32
      %mul3A_456 = arith.muli %scan3A_419, %mul3A_455 : i32
      %add3A_457 = arith.constant 1 : i32
      %add3A_458 = arith.addi %mul3A_456, %add3A_457 : i32
      %mul3A_459 = arith.constant 16 : i32
      %mul3A_460 = arith.muli %mul3A_459, %add3A_458 : i32
      %add3A_461 = arith.addi %arg1, %mul3A_460 : i32
      %add3A_462 = arith.constant 3 : i32
      %add3A_463 = arith.addi %add3A_458, %add3A_462 : i32
      %lt3A_464 = arith.constant 31 : i32
      %lt3A_465 = arith.cmpi slt, %add3A_463, %lt3A_464 : i32
      %add3A_466 = arith.constant 3 : i32
      %add3A_467 = arith.addi %add3A_458, %add3A_466 : i32
      %eq3A_468 = arith.constant 31 : i32
      %eq3A_469 = arith.cmpi eq, %add3A_467, %eq3A_468 : i32
      %lt3A_470 = arith.constant 4 : i32
      %lt3A_471 = arith.cmpi slt, %arg1, %lt3A_470 : i32
      %and3A_472 = arith.andi %eq3A_469, %lt3A_471 : i1
      %or3A_473 = arith.ori %lt3A_465, %and3A_472 : i1
      %dma_wait3A_474 = arith.constant 0 : i32
      %dma_wait3A_475 = arith.constant 0 : i32
      %dma_wait3A_476 = tpu.memref_slice %arg3[%dma_wait3A_474, %dma_wait3A_475] : memref<100000x128xf32, #tpu.memory_space<hbm>> -> memref<200x128xf32, #tpu.memory_space<hbm>>
      %dma_wait3A_477 = arith.constant 0 : i32
      %dma_wait3A_478 = arith.constant 0 : i32
      %dma_wait3A_479 = tpu.memref_slice %arg3[%dma_wait3A_477, %dma_wait3A_478] : memref<100000x128xf32, #tpu.memory_space<hbm>> -> memref<200x128xf32, #tpu.memory_space<hbm>>
      tpu.wait_dma2 semaphore(%arg12 : memref<!tpu.dma_semaphore, #tpu.memory_space<semaphore_mem>>) src(%dma_wait3A_479 : memref<200x128xf32, #tpu.memory_space<hbm>>) dst(%arg9 : memref<200x128xf32, #tpu.memory_space<vmem>>)
      %mul3A_480 = arith.constant 200 : i32
      %mul3A_481 = arith.muli %add3A_461, %mul3A_480 : i32
      %dma_start3A_482 = arith.constant 0 : i32
      %dma_start3A_483 = tpu.memref_slice %arg6[%arg0, %mul3A_481, %dma_start3A_482] : memref<2x101024x128xf32, #tpu.memory_space<hbm>> -> memref<1x200x128xf32, #tpu.memory_space<hbm>>
      %dma_start3A_484 = tpu.memref_squeeze %dma_start3A_483 : memref<1x200x128xf32, #tpu.memory_space<hbm>> -> memref<200x128xf32, #tpu.memory_space<hbm>>
      %dma_start3A_485 = arith.constant 0 : i32
      %dma_start3A_486 = tpu.memref_slice %arg6[%arg0, %mul3A_481, %dma_start3A_485] : memref<2x101024x128xf32, #tpu.memory_space<hbm>> -> memref<1x200x128xf32, #tpu.memory_space<hbm>>
      %dma_start3A_487 = tpu.memref_squeeze %dma_start3A_486 : memref<1x200x128xf32, #tpu.memory_space<hbm>> -> memref<200x128xf32, #tpu.memory_space<hbm>>
      tpu.enqueue_dma source(%arg9 : memref<200x128xf32, #tpu.memory_space<vmem>>) target(%dma_start3A_487 : memref<200x128xf32, #tpu.memory_space<hbm>>) target_semaphore(%arg15 : memref<!tpu.dma_semaphore, #tpu.memory_space<semaphore_mem>>)
      %convert_element_type3A_488 = arith.extui %or3A_473 : i1 to i32
      %cond3A_489 = arith.constant 0 : i32
      %cond3A_490 = arith.cmpi ne, %convert_element_type3A_488, %cond3A_489 : i32
      scf.if %cond3A_490 {
        %dma_wait3A_528 = arith.constant 0 : i32
        %dma_wait3A_529 = arith.constant 0 : i32
        %dma_wait3A_530 = tpu.memref_slice %arg6[%arg0, %dma_wait3A_528, %dma_wait3A_529] : memref<2x101024x128xf32, #tpu.memory_space<hbm>> -> memref<1x200x128xf32, #tpu.memory_space<hbm>>
        %dma_wait3A_531 = tpu.memref_squeeze %dma_wait3A_530 : memref<1x200x128xf32, #tpu.memory_space<hbm>> -> memref<200x128xf32, #tpu.memory_space<hbm>>
        %dma_wait3A_532 = arith.constant 0 : i32
        %dma_wait3A_533 = arith.constant 0 : i32
        %dma_wait3A_534 = tpu.memref_slice %arg6[%arg0, %dma_wait3A_532, %dma_wait3A_533] : memref<2x101024x128xf32, #tpu.memory_space<hbm>> -> memref<1x200x128xf32, #tpu.memory_space<hbm>>
        %dma_wait3A_535 = tpu.memref_squeeze %dma_wait3A_534 : memref<1x200x128xf32, #tpu.memory_space<hbm>> -> memref<200x128xf32, #tpu.memory_space<hbm>>
        tpu.wait_dma2 semaphore(%arg15 : memref<!tpu.dma_semaphore, #tpu.memory_space<semaphore_mem>>) src(%arg9 : memref<200x128xf32, #tpu.memory_space<vmem>>) dst(%dma_wait3A_535 : memref<200x128xf32, #tpu.memory_space<hbm>>)
        %add3A_536 = arith.constant 3 : i32
        %add3A_537 = arith.addi %add3A_458, %add3A_536 : i32
        %mul3A_538 = arith.constant 16 : i32
        %mul3A_539 = arith.muli %mul3A_538, %add3A_537 : i32
        %add3A_540 = arith.addi %arg1, %mul3A_539 : i32
        %mul3A_541 = arith.constant 200 : i32
        %mul3A_542 = arith.muli %add3A_540, %mul3A_541 : i32
        %dma_start3A_543 = arith.constant 0 : i32
        %dma_start3A_544 = tpu.memref_slice %arg3[%mul3A_542, %dma_start3A_543] : memref<100000x128xf32, #tpu.memory_space<hbm>> -> memref<200x128xf32, #tpu.memory_space<hbm>>
        %dma_start3A_545 = arith.constant 0 : i32
        %dma_start3A_546 = tpu.memref_slice %arg3[%mul3A_542, %dma_start3A_545] : memref<100000x128xf32, #tpu.memory_space<hbm>> -> memref<200x128xf32, #tpu.memory_space<hbm>>
        tpu.enqueue_dma source(%dma_start3A_546 : memref<200x128xf32, #tpu.memory_space<hbm>>) target(%arg9 : memref<200x128xf32, #tpu.memory_space<vmem>>) target_semaphore(%arg12 : memref<!tpu.dma_semaphore, #tpu.memory_space<semaphore_mem>>)
      } else {
      }
      %mul3A_491 = arith.constant 3 : i32
      %mul3A_492 = arith.muli %scan3A_419, %mul3A_491 : i32
      %add3A_493 = arith.constant 2 : i32
      %add3A_494 = arith.addi %mul3A_492, %add3A_493 : i32
      %mul3A_495 = arith.constant 16 : i32
      %mul3A_496 = arith.muli %mul3A_495, %add3A_494 : i32
      %add3A_497 = arith.addi %arg1, %mul3A_496 : i32
      %add3A_498 = arith.constant 3 : i32
      %add3A_499 = arith.addi %add3A_494, %add3A_498 : i32
      %lt3A_500 = arith.constant 31 : i32
      %lt3A_501 = arith.cmpi slt, %add3A_499, %lt3A_500 : i32
      %add3A_502 = arith.constant 3 : i32
      %add3A_503 = arith.addi %add3A_494, %add3A_502 : i32
      %eq3A_504 = arith.constant 31 : i32
      %eq3A_505 = arith.cmpi eq, %add3A_503, %eq3A_504 : i32
      %lt3A_506 = arith.constant 4 : i32
      %lt3A_507 = arith.cmpi slt, %arg1, %lt3A_506 : i32
      %and3A_508 = arith.andi %eq3A_505, %lt3A_507 : i1
      %or3A_509 = arith.ori %lt3A_501, %and3A_508 : i1
      %dma_wait3A_510 = arith.constant 0 : i32
      %dma_wait3A_511 = arith.constant 0 : i32
      %dma_wait3A_512 = tpu.memref_slice %arg3[%dma_wait3A_510, %dma_wait3A_511] : memref<100000x128xf32, #tpu.memory_space<hbm>> -> memref<200x128xf32, #tpu.memory_space<hbm>>
      %dma_wait3A_513 = arith.constant 0 : i32
      %dma_wait3A_514 = arith.constant 0 : i32
      %dma_wait3A_515 = tpu.memref_slice %arg3[%dma_wait3A_513, %dma_wait3A_514] : memref<100000x128xf32, #tpu.memory_space<hbm>> -> memref<200x128xf32, #tpu.memory_space<hbm>>
      tpu.wait_dma2 semaphore(%arg13 : memref<!tpu.dma_semaphore, #tpu.memory_space<semaphore_mem>>) src(%dma_wait3A_515 : memref<200x128xf32, #tpu.memory_space<hbm>>) dst(%arg10 : memref<200x128xf32, #tpu.memory_space<vmem>>)
      %mul3A_516 = arith.constant 200 : i32
      %mul3A_517 = arith.muli %add3A_497, %mul3A_516 : i32
      %dma_start3A_518 = arith.constant 0 : i32
      %dma_start3A_519 = tpu.memref_slice %arg6[%arg0, %mul3A_517, %dma_start3A_518] : memref<2x101024x128xf32, #tpu.memory_space<hbm>> -> memref<1x200x128xf32, #tpu.memory_space<hbm>>
      %dma_start3A_520 = tpu.memref_squeeze %dma_start3A_519 : memref<1x200x128xf32, #tpu.memory_space<hbm>> -> memref<200x128xf32, #tpu.memory_space<hbm>>
      %dma_start3A_521 = arith.constant 0 : i32
      %dma_start3A_522 = tpu.memref_slice %arg6[%arg0, %mul3A_517, %dma_start3A_521] : memref<2x101024x128xf32, #tpu.memory_space<hbm>> -> memref<1x200x128xf32, #tpu.memory_space<hbm>>
      %dma_start3A_523 = tpu.memref_squeeze %dma_start3A_522 : memref<1x200x128xf32, #tpu.memory_space<hbm>> -> memref<200x128xf32, #tpu.memory_space<hbm>>
      tpu.enqueue_dma source(%arg10 : memref<200x128xf32, #tpu.memory_space<vmem>>) target(%dma_start3A_523 : memref<200x128xf32, #tpu.memory_space<hbm>>) target_semaphore(%arg16 : memref<!tpu.dma_semaphore, #tpu.memory_space<semaphore_mem>>)
      %convert_element_type3A_524 = arith.extui %or3A_509 : i1 to i32
      %cond3A_525 = arith.constant 0 : i32
      %cond3A_526 = arith.cmpi ne, %convert_element_type3A_524, %cond3A_525 : i32
      scf.if %cond3A_526 {
        %dma_wait3A_528 = arith.constant 0 : i32
        %dma_wait3A_529 = arith.constant 0 : i32
        %dma_wait3A_530 = tpu.memref_slice %arg6[%arg0, %dma_wait3A_528, %dma_wait3A_529] : memref<2x101024x128xf32, #tpu.memory_space<hbm>> -> memref<1x200x128xf32, #tpu.memory_space<hbm>>
        %dma_wait3A_531 = tpu.memref_squeeze %dma_wait3A_530 : memref<1x200x128xf32, #tpu.memory_space<hbm>> -> memref<200x128xf32, #tpu.memory_space<hbm>>
        %dma_wait3A_532 = arith.constant 0 : i32
        %dma_wait3A_533 = arith.constant 0 : i32
        %dma_wait3A_534 = tpu.memref_slice %arg6[%arg0, %dma_wait3A_532, %dma_wait3A_533] : memref<2x101024x128xf32, #tpu.memory_space<hbm>> -> memref<1x200x128xf32, #tpu.memory_space<hbm>>
        %dma_wait3A_535 = tpu.memref_squeeze %dma_wait3A_534 : memref<1x200x128xf32, #tpu.memory_space<hbm>> -> memref<200x128xf32, #tpu.memory_space<hbm>>
        tpu.wait_dma2 semaphore(%arg16 : memref<!tpu.dma_semaphore, #tpu.memory_space<semaphore_mem>>) src(%arg10 : memref<200x128xf32, #tpu.memory_space<vmem>>) dst(%dma_wait3A_535 : memref<200x128xf32, #tpu.memory_space<hbm>>)
        %add3A_536 = arith.constant 3 : i32
        %add3A_537 = arith.addi %add3A_494, %add3A_536 : i32
        %mul3A_538 = arith.constant 16 : i32
        %mul3A_539 = arith.muli %mul3A_538, %add3A_537 : i32
        %add3A_540 = arith.addi %arg1, %mul3A_539 : i32
        %mul3A_541 = arith.constant 200 : i32
        %mul3A_542 = arith.muli %add3A_540, %mul3A_541 : i32
        %dma_start3A_543 = arith.constant 0 : i32
        %dma_start3A_544 = tpu.memref_slice %arg3[%mul3A_542, %dma_start3A_543] : memref<100000x128xf32, #tpu.memory_space<hbm>> -> memref<200x128xf32, #tpu.memory_space<hbm>>
        %dma_start3A_545 = arith.constant 0 : i32
        %dma_start3A_546 = tpu.memref_slice %arg3[%mul3A_542, %dma_start3A_545] : memref<100000x128xf32, #tpu.memory_space<hbm>> -> memref<200x128xf32, #tpu.memory_space<hbm>>
        tpu.enqueue_dma source(%dma_start3A_546 : memref<200x128xf32, #tpu.memory_space<hbm>>) target(%arg10 : memref<200x128xf32, #tpu.memory_space<vmem>>) target_semaphore(%arg13 : memref<!tpu.dma_semaphore, #tpu.memory_space<semaphore_mem>>)
      } else {
      }
      %scan3A_527 = arith.constant 0 : i32
      scf.yield %scan3A_527 : i32
    }
    %scan3A_33 = arith.constant 10 : i32
    %dma_wait3A = arith.constant 0 : i32
    %dma_wait3A_34 = arith.constant 0 : i32
    %dma_wait3A_35 = tpu.memref_slice %arg3[%dma_wait3A, %dma_wait3A_34] : memref<100000x128xf32, #tpu.memory_space<hbm>> -> memref<200x128xf32, #tpu.memory_space<hbm>>
    %dma_wait3A_36 = arith.constant 0 : i32
    %dma_wait3A_37 = arith.constant 0 : i32
    %dma_wait3A_38 = tpu.memref_slice %arg3[%dma_wait3A_36, %dma_wait3A_37] : memref<100000x128xf32, #tpu.memory_space<hbm>> -> memref<200x128xf32, #tpu.memory_space<hbm>>
    tpu.wait_dma2 semaphore(%arg11 : memref<!tpu.dma_semaphore, #tpu.memory_space<semaphore_mem>>) src(%dma_wait3A_38 : memref<200x128xf32, #tpu.memory_space<hbm>>) dst(%arg8 : memref<200x128xf32, #tpu.memory_space<vmem>>)
    %add3A_39 = arith.constant 480 : i32
    %add3A_40 = arith.addi %arg1, %add3A_39 : i32
    %mul3A_41 = arith.constant 200 : i32
    %mul3A_42 = arith.muli %add3A_40, %mul3A_41 : i32
    %dma_start3A_43 = arith.constant 0 : i32
    %dma_start3A_44 = tpu.memref_slice %arg6[%arg0, %mul3A_42, %dma_start3A_43] : memref<2x101024x128xf32, #tpu.memory_space<hbm>> -> memref<1x200x128xf32, #tpu.memory_space<hbm>>
    %dma_start3A_45 = tpu.memref_squeeze %dma_start3A_44 : memref<1x200x128xf32, #tpu.memory_space<hbm>> -> memref<200x128xf32, #tpu.memory_space<hbm>>
    %dma_start3A_46 = arith.constant 0 : i32
    %dma_start3A_47 = tpu.memref_slice %arg6[%arg0, %mul3A_42, %dma_start3A_46] : memref<2x101024x128xf32, #tpu.memory_space<hbm>> -> memref<1x200x128xf32, #tpu.memory_space<hbm>>
    %dma_start3A_48 = tpu.memref_squeeze %dma_start3A_47 : memref<1x200x128xf32, #tpu.memory_space<hbm>> -> memref<200x128xf32, #tpu.memory_space<hbm>>
    tpu.enqueue_dma source(%arg8 : memref<200x128xf32, #tpu.memory_space<vmem>>) target(%dma_start3A_48 : memref<200x128xf32, #tpu.memory_space<hbm>>) target_semaphore(%arg14 : memref<!tpu.dma_semaphore, #tpu.memory_space<semaphore_mem>>)
    %lt3A = arith.constant 4 : i32
    %lt3A_49 = arith.cmpi slt, %arg1, %lt3A : i32
    %convert_element_type3A = arith.extui %lt3A_49 : i1 to i32
    %cond3A = arith.constant 0 : i32
    %cond3A_50 = arith.cmpi ne, %convert_element_type3A, %cond3A : i32
    scf.if %cond3A_50 {
      %dma_wait3A_419 = arith.constant 0 : i32
      %dma_wait3A_420 = arith.constant 0 : i32
      %dma_wait3A_421 = tpu.memref_slice %arg3[%dma_wait3A_419, %dma_wait3A_420] : memref<100000x128xf32, #tpu.memory_space<hbm>> -> memref<200x128xf32, #tpu.memory_space<hbm>>
      %dma_wait3A_422 = arith.constant 0 : i32
      %dma_wait3A_423 = arith.constant 0 : i32
      %dma_wait3A_424 = tpu.memref_slice %arg3[%dma_wait3A_422, %dma_wait3A_423] : memref<100000x128xf32, #tpu.memory_space<hbm>> -> memref<200x128xf32, #tpu.memory_space<hbm>>
      tpu.wait_dma2 semaphore(%arg12 : memref<!tpu.dma_semaphore, #tpu.memory_space<semaphore_mem>>) src(%dma_wait3A_424 : memref<200x128xf32, #tpu.memory_space<hbm>>) dst(%arg9 : memref<200x128xf32, #tpu.memory_space<vmem>>)
      %add3A_425 = arith.constant 496 : i32
      %add3A_426 = arith.addi %arg1, %add3A_425 : i32
      %mul3A_427 = arith.constant 200 : i32
      %mul3A_428 = arith.muli %add3A_426, %mul3A_427 : i32
      %dma_start3A_429 = arith.constant 0 : i32
      %dma_start3A_430 = tpu.memref_slice %arg6[%arg0, %mul3A_428, %dma_start3A_429] : memref<2x101024x128xf32, #tpu.memory_space<hbm>> -> memref<1x200x128xf32, #tpu.memory_space<hbm>>
      %dma_start3A_431 = tpu.memref_squeeze %dma_start3A_430 : memref<1x200x128xf32, #tpu.memory_space<hbm>> -> memref<200x128xf32, #tpu.memory_space<hbm>>
      %dma_start3A_432 = arith.constant 0 : i32
      %dma_start3A_433 = tpu.memref_slice %arg6[%arg0, %mul3A_428, %dma_start3A_432] : memref<2x101024x128xf32, #tpu.memory_space<hbm>> -> memref<1x200x128xf32, #tpu.memory_space<hbm>>
      %dma_start3A_434 = tpu.memref_squeeze %dma_start3A_433 : memref<1x200x128xf32, #tpu.memory_space<hbm>> -> memref<200x128xf32, #tpu.memory_space<hbm>>
      tpu.enqueue_dma source(%arg9 : memref<200x128xf32, #tpu.memory_space<vmem>>) target(%dma_start3A_434 : memref<200x128xf32, #tpu.memory_space<hbm>>) target_semaphore(%arg15 : memref<!tpu.dma_semaphore, #tpu.memory_space<semaphore_mem>>)
    } else {
    }
    %dma_wait3A_51 = arith.constant 0 : i32
    %dma_wait3A_52 = arith.constant 0 : i32
    %dma_wait3A_53 = tpu.memref_slice %arg6[%arg0, %dma_wait3A_51, %dma_wait3A_52] : memref<2x101024x128xf32, #tpu.memory_space<hbm>> -> memref<1x200x128xf32, #tpu.memory_space<hbm>>
    %dma_wait3A_54 = tpu.memref_squeeze %dma_wait3A_53 : memref<1x200x128xf32, #tpu.memory_space<hbm>> -> memref<200x128xf32, #tpu.memory_space<hbm>>
    %dma_wait3A_55 = arith.constant 0 : i32
    %dma_wait3A_56 = arith.constant 0 : i32
    %dma_wait3A_57 = tpu.memref_slice %arg6[%arg0, %dma_wait3A_55, %dma_wait3A_56] : memref<2x101024x128xf32, #tpu.memory_space<hbm>> -> memref<1x200x128xf32, #tpu.memory_space<hbm>>
    %dma_wait3A_58 = tpu.memref_squeeze %dma_wait3A_57 : memref<1x200x128xf32, #tpu.memory_space<hbm>> -> memref<200x128xf32, #tpu.memory_space<hbm>>
    tpu.wait_dma2 semaphore(%arg14 : memref<!tpu.dma_semaphore, #tpu.memory_space<semaphore_mem>>) src(%arg8 : memref<200x128xf32, #tpu.memory_space<vmem>>) dst(%dma_wait3A_58 : memref<200x128xf32, #tpu.memory_space<hbm>>)
    %dma_wait3A_59 = arith.constant 0 : i32
    %dma_wait3A_60 = arith.constant 0 : i32
    %dma_wait3A_61 = tpu.memref_slice %arg6[%arg0, %dma_wait3A_59, %dma_wait3A_60] : memref<2x101024x128xf32, #tpu.memory_space<hbm>> -> memref<1x200x128xf32, #tpu.memory_space<hbm>>
    %dma_wait3A_62 = tpu.memref_squeeze %dma_wait3A_61 : memref<1x200x128xf32, #tpu.memory_space<hbm>> -> memref<200x128xf32, #tpu.memory_space<hbm>>
    %dma_wait3A_63 = arith.constant 0 : i32
    %dma_wait3A_64 = arith.constant 0 : i32
    %dma_wait3A_65 = tpu.memref_slice %arg6[%arg0, %dma_wait3A_63, %dma_wait3A_64] : memref<2x101024x128xf32, #tpu.memory_space<hbm>> -> memref<1x200x128xf32, #tpu.memory_space<hbm>>
    %dma_wait3A_66 = tpu.memref_squeeze %dma_wait3A_65 : memref<1x200x128xf32, #tpu.memory_space<hbm>> -> memref<200x128xf32, #tpu.memory_space<hbm>>
    tpu.wait_dma2 semaphore(%arg15 : memref<!tpu.dma_semaphore, #tpu.memory_space<semaphore_mem>>) src(%arg9 : memref<200x128xf32, #tpu.memory_space<vmem>>) dst(%dma_wait3A_66 : memref<200x128xf32, #tpu.memory_space<hbm>>)
    %dma_wait3A_67 = arith.constant 0 : i32
    %dma_wait3A_68 = arith.constant 0 : i32
    %dma_wait3A_69 = tpu.memref_slice %arg6[%arg0, %dma_wait3A_67, %dma_wait3A_68] : memref<2x101024x128xf32, #tpu.memory_space<hbm>> -> memref<1x200x128xf32, #tpu.memory_space<hbm>>
    %dma_wait3A_70 = tpu.memref_squeeze %dma_wait3A_69 : memref<1x200x128xf32, #tpu.memory_space<hbm>> -> memref<200x128xf32, #tpu.memory_space<hbm>>
    %dma_wait3A_71 = arith.constant 0 : i32
    %dma_wait3A_72 = arith.constant 0 : i32
    %dma_wait3A_73 = tpu.memref_slice %arg6[%arg0, %dma_wait3A_71, %dma_wait3A_72] : memref<2x101024x128xf32, #tpu.memory_space<hbm>> -> memref<1x200x128xf32, #tpu.memory_space<hbm>>
    %dma_wait3A_74 = tpu.memref_squeeze %dma_wait3A_73 : memref<1x200x128xf32, #tpu.memory_space<hbm>> -> memref<200x128xf32, #tpu.memory_space<hbm>>
    tpu.wait_dma2 semaphore(%arg16 : memref<!tpu.dma_semaphore, #tpu.memory_space<semaphore_mem>>) src(%arg10 : memref<200x128xf32, #tpu.memory_space<vmem>>) dst(%dma_wait3A_74 : memref<200x128xf32, #tpu.memory_space<hbm>>)
    %lt3A_75 = arith.constant 5 : i32
    %lt3A_76 = arith.cmpi slt, %arg1, %lt3A_75 : i32
    %convert_element_type3A_77 = arith.extui %lt3A_76 : i1 to i32
    %cond3A_78 = arith.constant 0 : i32
    %cond3A_79 = arith.cmpi ne, %convert_element_type3A_77, %cond3A_78 : i32
    scf.if %cond3A_79 {
      %mul3A_419 = arith.constant 200 : i32
      %mul3A_420 = arith.muli %arg1, %mul3A_419 : i32
      "tpu.region"() ({
        %run_scoped3A = tpu.sem_alloc : memref<!tpu.dma_semaphore, #tpu.memory_space<semaphore_mem>>
        %dma_start3A_425 = arith.constant 0 : i32
        %dma_start3A_426 = tpu.memref_slice %arg4[%mul3A_420, %dma_start3A_425] : memref<1024x128xf32, #tpu.memory_space<hbm>> -> memref<200x128xf32, #tpu.memory_space<hbm>>
        %dma_start3A_427 = arith.constant 0 : i32
        %dma_start3A_428 = tpu.memref_slice %arg4[%mul3A_420, %dma_start3A_427] : memref<1024x128xf32, #tpu.memory_space<hbm>> -> memref<200x128xf32, #tpu.memory_space<hbm>>
        tpu.enqueue_dma source(%dma_start3A_428 : memref<200x128xf32, #tpu.memory_space<hbm>>) target(%arg8 : memref<200x128xf32, #tpu.memory_space<vmem>>) target_semaphore(%run_scoped3A : memref<!tpu.dma_semaphore, #tpu.memory_space<semaphore_mem>>)
        %dma_wait3A_429 = arith.constant 0 : i32
        %dma_wait3A_430 = tpu.memref_slice %arg4[%mul3A_420, %dma_wait3A_429] : memref<1024x128xf32, #tpu.memory_space<hbm>> -> memref<200x128xf32, #tpu.memory_space<hbm>>
        %dma_wait3A_431 = arith.constant 0 : i32
        %dma_wait3A_432 = tpu.memref_slice %arg4[%mul3A_420, %dma_wait3A_431] : memref<1024x128xf32, #tpu.memory_space<hbm>> -> memref<200x128xf32, #tpu.memory_space<hbm>>
        tpu.wait_dma2 semaphore(%run_scoped3A : memref<!tpu.dma_semaphore, #tpu.memory_space<semaphore_mem>>) src(%dma_wait3A_432 : memref<200x128xf32, #tpu.memory_space<hbm>>) dst(%arg8 : memref<200x128xf32, #tpu.memory_space<vmem>>)
        tpu.yield
      }) : () -> ()
      %mul3A_421 = arith.constant 200 : i32
      %mul3A_422 = arith.muli %arg1, %mul3A_421 : i32
      %add3A_423 = arith.constant 100000 : i32
      %add3A_424 = arith.addi %add3A_423, %mul3A_422 : i32
      "tpu.region"() ({
        %run_scoped3A = tpu.sem_alloc : memref<!tpu.dma_semaphore, #tpu.memory_space<semaphore_mem>>
        %dma_start3A_425 = arith.constant 0 : i32
        %dma_start3A_426 = tpu.memref_slice %arg6[%arg0, %add3A_424, %dma_start3A_425] : memref<2x101024x128xf32, #tpu.memory_space<hbm>> -> memref<1x200x128xf32, #tpu.memory_space<hbm>>
        %dma_start3A_427 = tpu.memref_squeeze %dma_start3A_426 : memref<1x200x128xf32, #tpu.memory_space<hbm>> -> memref<200x128xf32, #tpu.memory_space<hbm>>
        %dma_start3A_428 = arith.constant 0 : i32
        %dma_start3A_429 = tpu.memref_slice %arg6[%arg0, %add3A_424, %dma_start3A_428] : memref<2x101024x128xf32, #tpu.memory_space<hbm>> -> memref<1x200x128xf32, #tpu.memory_space<hbm>>
        %dma_start3A_430 = tpu.memref_squeeze %dma_start3A_429 : memref<1x200x128xf32, #tpu.memory_space<hbm>> -> memref<200x128xf32, #tpu.memory_space<hbm>>
        tpu.enqueue_dma source(%arg8 : memref<200x128xf32, #tpu.memory_space<vmem>>) target(%dma_start3A_430 : memref<200x128xf32, #tpu.memory_space<hbm>>) target_semaphore(%run_scoped3A : memref<!tpu.dma_semaphore, #tpu.memory_space<semaphore_mem>>)
        %dma_wait3A_431 = arith.constant 0 : i32
        %dma_wait3A_432 = tpu.memref_slice %arg6[%arg0, %add3A_424, %dma_wait3A_431] : memref<2x101024x128xf32, #tpu.memory_space<hbm>> -> memref<1x200x128xf32, #tpu.memory_space<hbm>>
        %dma_wait3A_433 = tpu.memref_squeeze %dma_wait3A_432 : memref<1x200x128xf32, #tpu.memory_space<hbm>> -> memref<200x128xf32, #tpu.memory_space<hbm>>
        %dma_wait3A_434 = arith.constant 0 : i32
        %dma_wait3A_435 = tpu.memref_slice %arg6[%arg0, %add3A_424, %dma_wait3A_434] : memref<2x101024x128xf32, #tpu.memory_space<hbm>> -> memref<1x200x128xf32, #tpu.memory_space<hbm>>
        %dma_wait3A_436 = tpu.memref_squeeze %dma_wait3A_435 : memref<1x200x128xf32, #tpu.memory_space<hbm>> -> memref<200x128xf32, #tpu.memory_space<hbm>>
        tpu.wait_dma2 semaphore(%run_scoped3A : memref<!tpu.dma_semaphore, #tpu.memory_space<semaphore_mem>>) src(%arg8 : memref<200x128xf32, #tpu.memory_space<vmem>>) dst(%dma_wait3A_436 : memref<200x128xf32, #tpu.memory_space<hbm>>)
        tpu.yield
      }) : () -> ()
    } else {
    }
    %eq3A = arith.constant 5 : i32
    %eq3A_80 = arith.cmpi eq, %arg1, %eq3A : i32
    %convert_element_type3A_81 = arith.extui %eq3A_80 : i1 to i32
    %cond3A_82 = arith.constant 0 : i32
    %cond3A_83 = arith.cmpi ne, %convert_element_type3A_81, %cond3A_82 : i32
    scf.if %cond3A_83 {
      "tpu.region"() ({
        %run_scoped3A = tpu.sem_alloc : memref<!tpu.dma_semaphore, #tpu.memory_space<semaphore_mem>>
        %dma_start3A_419 = arith.constant 0 : i32
        %dma_start3A_420 = arith.constant 0 : i32
        %dma_start3A_421 = tpu.memref_slice %arg8[%dma_start3A_419, %dma_start3A_420] : memref<200x128xf32, #tpu.memory_space<vmem>> -> memref<24x128xf32, #tpu.memory_space<vmem>>
        %dma_start3A_422 = arith.constant 1000 : i32
        %dma_start3A_423 = arith.constant 0 : i32
        %dma_start3A_424 = tpu.memref_slice %arg4[%dma_start3A_422, %dma_start3A_423] : memref<1024x128xf32, #tpu.memory_space<hbm>> -> memref<24x128xf32, #tpu.memory_space<hbm>>
        %dma_start3A_425 = arith.constant 0 : i32
        %dma_start3A_426 = arith.constant 0 : i32
        %dma_start3A_427 = tpu.memref_slice %arg8[%dma_start3A_425, %dma_start3A_426] : memref<200x128xf32, #tpu.memory_space<vmem>> -> memref<24x128xf32, #tpu.memory_space<vmem>>
        %dma_start3A_428 = arith.constant 1000 : i32
        %dma_start3A_429 = arith.constant 0 : i32
        %dma_start3A_430 = tpu.memref_slice %arg4[%dma_start3A_428, %dma_start3A_429] : memref<1024x128xf32, #tpu.memory_space<hbm>> -> memref<24x128xf32, #tpu.memory_space<hbm>>
        tpu.enqueue_dma source(%dma_start3A_430 : memref<24x128xf32, #tpu.memory_space<hbm>>) target(%dma_start3A_427 : memref<24x128xf32, #tpu.memory_space<vmem>>) target_semaphore(%run_scoped3A : memref<!tpu.dma_semaphore, #tpu.memory_space<semaphore_mem>>)
        %dma_wait3A_431 = arith.constant 0 : i32
        %dma_wait3A_432 = arith.constant 0 : i32
        %dma_wait3A_433 = tpu.memref_slice %arg8[%dma_wait3A_431, %dma_wait3A_432] : memref<200x128xf32, #tpu.memory_space<vmem>> -> memref<24x128xf32, #tpu.memory_space<vmem>>
        %dma_wait3A_434 = arith.constant 1000 : i32
        %dma_wait3A_435 = arith.constant 0 : i32
        %dma_wait3A_436 = tpu.memref_slice %arg4[%dma_wait3A_434, %dma_wait3A_435] : memref<1024x128xf32, #tpu.memory_space<hbm>> -> memref<24x128xf32, #tpu.memory_space<hbm>>
        %dma_wait3A_437 = arith.constant 0 : i32
        %dma_wait3A_438 = arith.constant 0 : i32
        %dma_wait3A_439 = tpu.memref_slice %arg8[%dma_wait3A_437, %dma_wait3A_438] : memref<200x128xf32, #tpu.memory_space<vmem>> -> memref<24x128xf32, #tpu.memory_space<vmem>>
        %dma_wait3A_440 = arith.constant 1000 : i32
        %dma_wait3A_441 = arith.constant 0 : i32
        %dma_wait3A_442 = tpu.memref_slice %arg4[%dma_wait3A_440, %dma_wait3A_441] : memref<1024x128xf32, #tpu.memory_space<hbm>> -> memref<24x128xf32, #tpu.memory_space<hbm>>
        tpu.wait_dma2 semaphore(%run_scoped3A : memref<!tpu.dma_semaphore, #tpu.memory_space<semaphore_mem>>) src(%dma_wait3A_442 : memref<24x128xf32, #tpu.memory_space<hbm>>) dst(%dma_wait3A_439 : memref<24x128xf32, #tpu.memory_space<vmem>>)
        tpu.yield
      }) : () -> ()
      "tpu.region"() ({
        %run_scoped3A = tpu.sem_alloc : memref<!tpu.dma_semaphore, #tpu.memory_space<semaphore_mem>>
        %dma_start3A_419 = arith.constant 0 : i32
        %dma_start3A_420 = arith.constant 0 : i32
        %dma_start3A_421 = tpu.memref_slice %arg8[%dma_start3A_419, %dma_start3A_420] : memref<200x128xf32, #tpu.memory_space<vmem>> -> memref<24x128xf32, #tpu.memory_space<vmem>>
        %dma_start3A_422 = arith.constant 101000 : i32
        %dma_start3A_423 = arith.constant 0 : i32
        %dma_start3A_424 = tpu.memref_slice %arg6[%arg0, %dma_start3A_422, %dma_start3A_423] : memref<2x101024x128xf32, #tpu.memory_space<hbm>> -> memref<1x24x128xf32, #tpu.memory_space<hbm>>
        %dma_start3A_425 = tpu.memref_squeeze %dma_start3A_424 : memref<1x24x128xf32, #tpu.memory_space<hbm>> -> memref<24x128xf32, #tpu.memory_space<hbm>>
        %dma_start3A_426 = arith.constant 101000 : i32
        %dma_start3A_427 = arith.constant 0 : i32
        %dma_start3A_428 = tpu.memref_slice %arg6[%arg0, %dma_start3A_426, %dma_start3A_427] : memref<2x101024x128xf32, #tpu.memory_space<hbm>> -> memref<1x24x128xf32, #tpu.memory_space<hbm>>
        %dma_start3A_429 = tpu.memref_squeeze %dma_start3A_428 : memref<1x24x128xf32, #tpu.memory_space<hbm>> -> memref<24x128xf32, #tpu.memory_space<hbm>>
        %dma_start3A_430 = arith.constant 0 : i32
        %dma_start3A_431 = arith.constant 0 : i32
        %dma_start3A_432 = tpu.memref_slice %arg8[%dma_start3A_430, %dma_start3A_431] : memref<200x128xf32, #tpu.memory_space<vmem>> -> memref<24x128xf32, #tpu.memory_space<vmem>>
        tpu.enqueue_dma source(%dma_start3A_432 : memref<24x128xf32, #tpu.memory_space<vmem>>) target(%dma_start3A_429 : memref<24x128xf32, #tpu.memory_space<hbm>>) target_semaphore(%run_scoped3A : memref<!tpu.dma_semaphore, #tpu.memory_space<semaphore_mem>>)
        %dma_wait3A_433 = arith.constant 0 : i32
        %dma_wait3A_434 = arith.constant 0 : i32
        %dma_wait3A_435 = tpu.memref_slice %arg8[%dma_wait3A_433, %dma_wait3A_434] : memref<200x128xf32, #tpu.memory_space<vmem>> -> memref<24x128xf32, #tpu.memory_space<vmem>>
        %dma_wait3A_436 = arith.constant 101000 : i32
        %dma_wait3A_437 = arith.constant 0 : i32
        %dma_wait3A_438 = tpu.memref_slice %arg6[%arg0, %dma_wait3A_436, %dma_wait3A_437] : memref<2x101024x128xf32, #tpu.memory_space<hbm>> -> memref<1x24x128xf32, #tpu.memory_space<hbm>>
        %dma_wait3A_439 = tpu.memref_squeeze %dma_wait3A_438 : memref<1x24x128xf32, #tpu.memory_space<hbm>> -> memref<24x128xf32, #tpu.memory_space<hbm>>
        %dma_wait3A_440 = arith.constant 101000 : i32
        %dma_wait3A_441 = arith.constant 0 : i32
        %dma_wait3A_442 = tpu.memref_slice %arg6[%arg0, %dma_wait3A_440, %dma_wait3A_441] : memref<2x101024x128xf32, #tpu.memory_space<hbm>> -> memref<1x24x128xf32, #tpu.memory_space<hbm>>
        %dma_wait3A_443 = tpu.memref_squeeze %dma_wait3A_442 : memref<1x24x128xf32, #tpu.memory_space<hbm>> -> memref<24x128xf32, #tpu.memory_space<hbm>>
        %dma_wait3A_444 = arith.constant 0 : i32
        %dma_wait3A_445 = arith.constant 0 : i32
        %dma_wait3A_446 = tpu.memref_slice %arg8[%dma_wait3A_444, %dma_wait3A_445] : memref<200x128xf32, #tpu.memory_space<vmem>> -> memref<24x128xf32, #tpu.memory_space<vmem>>
        tpu.wait_dma2 semaphore(%run_scoped3A : memref<!tpu.dma_semaphore, #tpu.memory_space<semaphore_mem>>) src(%dma_wait3A_446 : memref<24x128xf32, #tpu.memory_space<vmem>>) dst(%dma_wait3A_443 : memref<24x128xf32, #tpu.memory_space<hbm>>)
        tpu.yield
      }) : () -> ()
    } else {
    }
    %barrier3A = arith.constant 0 : index
    tpu.barrier barrier_id(%barrier3A)
    %dma_start3A_84 = arith.constant 0 : i32
    %dma_start3A_85 = arith.constant 0 : i32
    %dma_start3A_86 = tpu.memref_slice %arg8[%dma_start3A_84, %dma_start3A_85] : memref<200x128xf32, #tpu.memory_space<vmem>> -> memref<50x128xf32, #tpu.memory_space<vmem>>
    %dma_start3A_87 = arith.constant 0 : i32
    %dma_start3A_88 = tpu.memref_slice %arg7[%dma_start3A_87] : memref<28672xi32, #tpu.memory_space<vmem>> -> memref<50xi32, #tpu.memory_space<vmem>>
    %dma_start3A_89 = arith.constant 0 : i32
    %dma_start3A_90 = arith.constant 0 : i32
    %dma_start3A_91 = tpu.memref_slice %arg6[%arg0, %dma_start3A_89, %dma_start3A_90] : memref<2x101024x128xf32, #tpu.memory_space<hbm>> -> memref<1x101024x128xf32, #tpu.memory_space<hbm>>
    %dma_start3A_92 = tpu.memref_squeeze %dma_start3A_91 : memref<1x101024x128xf32, #tpu.memory_space<hbm>> -> memref<101024x128xf32, #tpu.memory_space<hbm>>
    %dma_start3A_93 = arith.constant 0 : i32
    %dma_start3A_94 = arith.constant 0 : i32
    %dma_start3A_95 = tpu.memref_slice %dma_start3A_92[%dma_start3A_93, %dma_start3A_94] : memref<101024x128xf32, #tpu.memory_space<hbm>> -> memref<101024x128xf32, #tpu.memory_space<hbm>>
    tpu.enqueue_indirect_dma source(%dma_start3A_95 : memref<101024x128xf32, #tpu.memory_space<hbm>>) target(%dma_start3A_86 : memref<50x128xf32, #tpu.memory_space<vmem>>) offsets(%dma_start3A_88 : memref<50xi32, #tpu.memory_space<vmem>>) semaphore(%arg11 : memref<!tpu.dma_semaphore, #tpu.memory_space<semaphore_mem>>)
    %dma_start3A_96 = arith.constant 50 : i32
    %dma_start3A_97 = arith.constant 0 : i32
    %dma_start3A_98 = tpu.memref_slice %arg8[%dma_start3A_96, %dma_start3A_97] : memref<200x128xf32, #tpu.memory_space<vmem>> -> memref<50x128xf32, #tpu.memory_space<vmem>>
    %dma_start3A_99 = arith.constant 56 : i32
    %dma_start3A_100 = tpu.memref_slice %arg7[%dma_start3A_99] : memref<28672xi32, #tpu.memory_space<vmem>> -> memref<50xi32, #tpu.memory_space<vmem>>
    %dma_start3A_101 = arith.constant 0 : i32
    %dma_start3A_102 = arith.constant 0 : i32
    %dma_start3A_103 = tpu.memref_slice %arg6[%arg0, %dma_start3A_101, %dma_start3A_102] : memref<2x101024x128xf32, #tpu.memory_space<hbm>> -> memref<1x101024x128xf32, #tpu.memory_space<hbm>>
    %dma_start3A_104 = tpu.memref_squeeze %dma_start3A_103 : memref<1x101024x128xf32, #tpu.memory_space<hbm>> -> memref<101024x128xf32, #tpu.memory_space<hbm>>
    %dma_start3A_105 = arith.constant 0 : i32
    %dma_start3A_106 = arith.constant 0 : i32
    %dma_start3A_107 = tpu.memref_slice %dma_start3A_104[%dma_start3A_105, %dma_start3A_106] : memref<101024x128xf32, #tpu.memory_space<hbm>> -> memref<101024x128xf32, #tpu.memory_space<hbm>>
    tpu.enqueue_indirect_dma source(%dma_start3A_107 : memref<101024x128xf32, #tpu.memory_space<hbm>>) target(%dma_start3A_98 : memref<50x128xf32, #tpu.memory_space<vmem>>) offsets(%dma_start3A_100 : memref<50xi32, #tpu.memory_space<vmem>>) semaphore(%arg11 : memref<!tpu.dma_semaphore, #tpu.memory_space<semaphore_mem>>)
    %dma_start3A_108 = arith.constant 100 : i32
    %dma_start3A_109 = arith.constant 0 : i32
    %dma_start3A_110 = tpu.memref_slice %arg8[%dma_start3A_108, %dma_start3A_109] : memref<200x128xf32, #tpu.memory_space<vmem>> -> memref<50x128xf32, #tpu.memory_space<vmem>>
    %dma_start3A_111 = arith.constant 112 : i32
    %dma_start3A_112 = tpu.memref_slice %arg7[%dma_start3A_111] : memref<28672xi32, #tpu.memory_space<vmem>> -> memref<50xi32, #tpu.memory_space<vmem>>
    %dma_start3A_113 = arith.constant 0 : i32
    %dma_start3A_114 = arith.constant 0 : i32
    %dma_start3A_115 = tpu.memref_slice %arg6[%arg0, %dma_start3A_113, %dma_start3A_114] : memref<2x101024x128xf32, #tpu.memory_space<hbm>> -> memref<1x101024x128xf32, #tpu.memory_space<hbm>>
    %dma_start3A_116 = tpu.memref_squeeze %dma_start3A_115 : memref<1x101024x128xf32, #tpu.memory_space<hbm>> -> memref<101024x128xf32, #tpu.memory_space<hbm>>
    %dma_start3A_117 = arith.constant 0 : i32
    %dma_start3A_118 = arith.constant 0 : i32
    %dma_start3A_119 = tpu.memref_slice %dma_start3A_116[%dma_start3A_117, %dma_start3A_118] : memref<101024x128xf32, #tpu.memory_space<hbm>> -> memref<101024x128xf32, #tpu.memory_space<hbm>>
    tpu.enqueue_indirect_dma source(%dma_start3A_119 : memref<101024x128xf32, #tpu.memory_space<hbm>>) target(%dma_start3A_110 : memref<50x128xf32, #tpu.memory_space<vmem>>) offsets(%dma_start3A_112 : memref<50xi32, #tpu.memory_space<vmem>>) semaphore(%arg11 : memref<!tpu.dma_semaphore, #tpu.memory_space<semaphore_mem>>)
    %dma_start3A_120 = arith.constant 150 : i32
    %dma_start3A_121 = arith.constant 0 : i32
    %dma_start3A_122 = tpu.memref_slice %arg8[%dma_start3A_120, %dma_start3A_121] : memref<200x128xf32, #tpu.memory_space<vmem>> -> memref<50x128xf32, #tpu.memory_space<vmem>>
    %dma_start3A_123 = arith.constant 168 : i32
    %dma_start3A_124 = tpu.memref_slice %arg7[%dma_start3A_123] : memref<28672xi32, #tpu.memory_space<vmem>> -> memref<50xi32, #tpu.memory_space<vmem>>
    %dma_start3A_125 = arith.constant 0 : i32
    %dma_start3A_126 = arith.constant 0 : i32
    %dma_start3A_127 = tpu.memref_slice %arg6[%arg0, %dma_start3A_125, %dma_start3A_126] : memref<2x101024x128xf32, #tpu.memory_space<hbm>> -> memref<1x101024x128xf32, #tpu.memory_space<hbm>>
    %dma_start3A_128 = tpu.memref_squeeze %dma_start3A_127 : memref<1x101024x128xf32, #tpu.memory_space<hbm>> -> memref<101024x128xf32, #tpu.memory_space<hbm>>
    %dma_start3A_129 = arith.constant 0 : i32
    %dma_start3A_130 = arith.constant 0 : i32
    %dma_start3A_131 = tpu.memref_slice %dma_start3A_128[%dma_start3A_129, %dma_start3A_130] : memref<101024x128xf32, #tpu.memory_space<hbm>> -> memref<101024x128xf32, #tpu.memory_space<hbm>>
    tpu.enqueue_indirect_dma source(%dma_start3A_131 : memref<101024x128xf32, #tpu.memory_space<hbm>>) target(%dma_start3A_122 : memref<50x128xf32, #tpu.memory_space<vmem>>) offsets(%dma_start3A_124 : memref<50xi32, #tpu.memory_space<vmem>>) semaphore(%arg11 : memref<!tpu.dma_semaphore, #tpu.memory_space<semaphore_mem>>)
    %dma_start3A_132 = arith.constant 0 : i32
    %dma_start3A_133 = arith.constant 0 : i32
    %dma_start3A_134 = tpu.memref_slice %arg9[%dma_start3A_132, %dma_start3A_133] : memref<200x128xf32, #tpu.memory_space<vmem>> -> memref<50x128xf32, #tpu.memory_space<vmem>>
    %dma_start3A_135 = arith.constant 224 : i32
    %dma_start3A_136 = tpu.memref_slice %arg7[%dma_start3A_135] : memref<28672xi32, #tpu.memory_space<vmem>> -> memref<50xi32, #tpu.memory_space<vmem>>
    %dma_start3A_137 = arith.constant 0 : i32
    %dma_start3A_138 = arith.constant 0 : i32
    %dma_start3A_139 = tpu.memref_slice %arg6[%arg0, %dma_start3A_137, %dma_start3A_138] : memref<2x101024x128xf32, #tpu.memory_space<hbm>> -> memref<1x101024x128xf32, #tpu.memory_space<hbm>>
    %dma_start3A_140 = tpu.memref_squeeze %dma_start3A_139 : memref<1x101024x128xf32, #tpu.memory_space<hbm>> -> memref<101024x128xf32, #tpu.memory_space<hbm>>
    %dma_start3A_141 = arith.constant 0 : i32
    %dma_start3A_142 = arith.constant 0 : i32
    %dma_start3A_143 = tpu.memref_slice %dma_start3A_140[%dma_start3A_141, %dma_start3A_142] : memref<101024x128xf32, #tpu.memory_space<hbm>> -> memref<101024x128xf32, #tpu.memory_space<hbm>>
    tpu.enqueue_indirect_dma source(%dma_start3A_143 : memref<101024x128xf32, #tpu.memory_space<hbm>>) target(%dma_start3A_134 : memref<50x128xf32, #tpu.memory_space<vmem>>) offsets(%dma_start3A_136 : memref<50xi32, #tpu.memory_space<vmem>>) semaphore(%arg12 : memref<!tpu.dma_semaphore, #tpu.memory_space<semaphore_mem>>)
    %dma_start3A_144 = arith.constant 50 : i32
    %dma_start3A_145 = arith.constant 0 : i32
    %dma_start3A_146 = tpu.memref_slice %arg9[%dma_start3A_144, %dma_start3A_145] : memref<200x128xf32, #tpu.memory_space<vmem>> -> memref<50x128xf32, #tpu.memory_space<vmem>>
    %dma_start3A_147 = arith.constant 280 : i32
    %dma_start3A_148 = tpu.memref_slice %arg7[%dma_start3A_147] : memref<28672xi32, #tpu.memory_space<vmem>> -> memref<50xi32, #tpu.memory_space<vmem>>
    %dma_start3A_149 = arith.constant 0 : i32
    %dma_start3A_150 = arith.constant 0 : i32
    %dma_start3A_151 = tpu.memref_slice %arg6[%arg0, %dma_start3A_149, %dma_start3A_150] : memref<2x101024x128xf32, #tpu.memory_space<hbm>> -> memref<1x101024x128xf32, #tpu.memory_space<hbm>>
    %dma_start3A_152 = tpu.memref_squeeze %dma_start3A_151 : memref<1x101024x128xf32, #tpu.memory_space<hbm>> -> memref<101024x128xf32, #tpu.memory_space<hbm>>
    %dma_start3A_153 = arith.constant 0 : i32
    %dma_start3A_154 = arith.constant 0 : i32
    %dma_start3A_155 = tpu.memref_slice %dma_start3A_152[%dma_start3A_153, %dma_start3A_154] : memref<101024x128xf32, #tpu.memory_space<hbm>> -> memref<101024x128xf32, #tpu.memory_space<hbm>>
    tpu.enqueue_indirect_dma source(%dma_start3A_155 : memref<101024x128xf32, #tpu.memory_space<hbm>>) target(%dma_start3A_146 : memref<50x128xf32, #tpu.memory_space<vmem>>) offsets(%dma_start3A_148 : memref<50xi32, #tpu.memory_space<vmem>>) semaphore(%arg12 : memref<!tpu.dma_semaphore, #tpu.memory_space<semaphore_mem>>)
    %dma_start3A_156 = arith.constant 100 : i32
    %dma_start3A_157 = arith.constant 0 : i32
    %dma_start3A_158 = tpu.memref_slice %arg9[%dma_start3A_156, %dma_start3A_157] : memref<200x128xf32, #tpu.memory_space<vmem>> -> memref<50x128xf32, #tpu.memory_space<vmem>>
    %dma_start3A_159 = arith.constant 336 : i32
    %dma_start3A_160 = tpu.memref_slice %arg7[%dma_start3A_159] : memref<28672xi32, #tpu.memory_space<vmem>> -> memref<50xi32, #tpu.memory_space<vmem>>
    %dma_start3A_161 = arith.constant 0 : i32
    %dma_start3A_162 = arith.constant 0 : i32
    %dma_start3A_163 = tpu.memref_slice %arg6[%arg0, %dma_start3A_161, %dma_start3A_162] : memref<2x101024x128xf32, #tpu.memory_space<hbm>> -> memref<1x101024x128xf32, #tpu.memory_space<hbm>>
    %dma_start3A_164 = tpu.memref_squeeze %dma_start3A_163 : memref<1x101024x128xf32, #tpu.memory_space<hbm>> -> memref<101024x128xf32, #tpu.memory_space<hbm>>
    %dma_start3A_165 = arith.constant 0 : i32
    %dma_start3A_166 = arith.constant 0 : i32
    %dma_start3A_167 = tpu.memref_slice %dma_start3A_164[%dma_start3A_165, %dma_start3A_166] : memref<101024x128xf32, #tpu.memory_space<hbm>> -> memref<101024x128xf32, #tpu.memory_space<hbm>>
    tpu.enqueue_indirect_dma source(%dma_start3A_167 : memref<101024x128xf32, #tpu.memory_space<hbm>>) target(%dma_start3A_158 : memref<50x128xf32, #tpu.memory_space<vmem>>) offsets(%dma_start3A_160 : memref<50xi32, #tpu.memory_space<vmem>>) semaphore(%arg12 : memref<!tpu.dma_semaphore, #tpu.memory_space<semaphore_mem>>)
    %dma_start3A_168 = arith.constant 150 : i32
    %dma_start3A_169 = arith.constant 0 : i32
    %dma_start3A_170 = tpu.memref_slice %arg9[%dma_start3A_168, %dma_start3A_169] : memref<200x128xf32, #tpu.memory_space<vmem>> -> memref<50x128xf32, #tpu.memory_space<vmem>>
    %dma_start3A_171 = arith.constant 392 : i32
    %dma_start3A_172 = tpu.memref_slice %arg7[%dma_start3A_171] : memref<28672xi32, #tpu.memory_space<vmem>> -> memref<50xi32, #tpu.memory_space<vmem>>
    %dma_start3A_173 = arith.constant 0 : i32
    %dma_start3A_174 = arith.constant 0 : i32
    %dma_start3A_175 = tpu.memref_slice %arg6[%arg0, %dma_start3A_173, %dma_start3A_174] : memref<2x101024x128xf32, #tpu.memory_space<hbm>> -> memref<1x101024x128xf32, #tpu.memory_space<hbm>>
    %dma_start3A_176 = tpu.memref_squeeze %dma_start3A_175 : memref<1x101024x128xf32, #tpu.memory_space<hbm>> -> memref<101024x128xf32, #tpu.memory_space<hbm>>
    %dma_start3A_177 = arith.constant 0 : i32
    %dma_start3A_178 = arith.constant 0 : i32
    %dma_start3A_179 = tpu.memref_slice %dma_start3A_176[%dma_start3A_177, %dma_start3A_178] : memref<101024x128xf32, #tpu.memory_space<hbm>> -> memref<101024x128xf32, #tpu.memory_space<hbm>>
    tpu.enqueue_indirect_dma source(%dma_start3A_179 : memref<101024x128xf32, #tpu.memory_space<hbm>>) target(%dma_start3A_170 : memref<50x128xf32, #tpu.memory_space<vmem>>) offsets(%dma_start3A_172 : memref<50xi32, #tpu.memory_space<vmem>>) semaphore(%arg12 : memref<!tpu.dma_semaphore, #tpu.memory_space<semaphore_mem>>)
    %dma_start3A_180 = arith.constant 0 : i32
    %dma_start3A_181 = arith.constant 0 : i32
    %dma_start3A_182 = tpu.memref_slice %arg10[%dma_start3A_180, %dma_start3A_181] : memref<200x128xf32, #tpu.memory_space<vmem>> -> memref<50x128xf32, #tpu.memory_space<vmem>>
    %dma_start3A_183 = arith.constant 448 : i32
    %dma_start3A_184 = tpu.memref_slice %arg7[%dma_start3A_183] : memref<28672xi32, #tpu.memory_space<vmem>> -> memref<50xi32, #tpu.memory_space<vmem>>
    %dma_start3A_185 = arith.constant 0 : i32
    %dma_start3A_186 = arith.constant 0 : i32
    %dma_start3A_187 = tpu.memref_slice %arg6[%arg0, %dma_start3A_185, %dma_start3A_186] : memref<2x101024x128xf32, #tpu.memory_space<hbm>> -> memref<1x101024x128xf32, #tpu.memory_space<hbm>>
    %dma_start3A_188 = tpu.memref_squeeze %dma_start3A_187 : memref<1x101024x128xf32, #tpu.memory_space<hbm>> -> memref<101024x128xf32, #tpu.memory_space<hbm>>
    %dma_start3A_189 = arith.constant 0 : i32
    %dma_start3A_190 = arith.constant 0 : i32
    %dma_start3A_191 = tpu.memref_slice %dma_start3A_188[%dma_start3A_189, %dma_start3A_190] : memref<101024x128xf32, #tpu.memory_space<hbm>> -> memref<101024x128xf32, #tpu.memory_space<hbm>>
    tpu.enqueue_indirect_dma source(%dma_start3A_191 : memref<101024x128xf32, #tpu.memory_space<hbm>>) target(%dma_start3A_182 : memref<50x128xf32, #tpu.memory_space<vmem>>) offsets(%dma_start3A_184 : memref<50xi32, #tpu.memory_space<vmem>>) semaphore(%arg13 : memref<!tpu.dma_semaphore, #tpu.memory_space<semaphore_mem>>)
    %dma_start3A_192 = arith.constant 50 : i32
    %dma_start3A_193 = arith.constant 0 : i32
    %dma_start3A_194 = tpu.memref_slice %arg10[%dma_start3A_192, %dma_start3A_193] : memref<200x128xf32, #tpu.memory_space<vmem>> -> memref<50x128xf32, #tpu.memory_space<vmem>>
    %dma_start3A_195 = arith.constant 504 : i32
    %dma_start3A_196 = tpu.memref_slice %arg7[%dma_start3A_195] : memref<28672xi32, #tpu.memory_space<vmem>> -> memref<50xi32, #tpu.memory_space<vmem>>
    %dma_start3A_197 = arith.constant 0 : i32
    %dma_start3A_198 = arith.constant 0 : i32
    %dma_start3A_199 = tpu.memref_slice %arg6[%arg0, %dma_start3A_197, %dma_start3A_198] : memref<2x101024x128xf32, #tpu.memory_space<hbm>> -> memref<1x101024x128xf32, #tpu.memory_space<hbm>>
    %dma_start3A_200 = tpu.memref_squeeze %dma_start3A_199 : memref<1x101024x128xf32, #tpu.memory_space<hbm>> -> memref<101024x128xf32, #tpu.memory_space<hbm>>
    %dma_start3A_201 = arith.constant 0 : i32
    %dma_start3A_202 = arith.constant 0 : i32
    %dma_start3A_203 = tpu.memref_slice %dma_start3A_200[%dma_start3A_201, %dma_start3A_202] : memref<101024x128xf32, #tpu.memory_space<hbm>> -> memref<101024x128xf32, #tpu.memory_space<hbm>>
    tpu.enqueue_indirect_dma source(%dma_start3A_203 : memref<101024x128xf32, #tpu.memory_space<hbm>>) target(%dma_start3A_194 : memref<50x128xf32, #tpu.memory_space<vmem>>) offsets(%dma_start3A_196 : memref<50xi32, #tpu.memory_space<vmem>>) semaphore(%arg13 : memref<!tpu.dma_semaphore, #tpu.memory_space<semaphore_mem>>)
    %dma_start3A_204 = arith.constant 100 : i32
    %dma_start3A_205 = arith.constant 0 : i32
    %dma_start3A_206 = tpu.memref_slice %arg10[%dma_start3A_204, %dma_start3A_205] : memref<200x128xf32, #tpu.memory_space<vmem>> -> memref<50x128xf32, #tpu.memory_space<vmem>>
    %dma_start3A_207 = arith.constant 560 : i32
    %dma_start3A_208 = tpu.memref_slice %arg7[%dma_start3A_207] : memref<28672xi32, #tpu.memory_space<vmem>> -> memref<50xi32, #tpu.memory_space<vmem>>
    %dma_start3A_209 = arith.constant 0 : i32
    %dma_start3A_210 = arith.constant 0 : i32
    %dma_start3A_211 = tpu.memref_slice %arg6[%arg0, %dma_start3A_209, %dma_start3A_210] : memref<2x101024x128xf32, #tpu.memory_space<hbm>> -> memref<1x101024x128xf32, #tpu.memory_space<hbm>>
    %dma_start3A_212 = tpu.memref_squeeze %dma_start3A_211 : memref<1x101024x128xf32, #tpu.memory_space<hbm>> -> memref<101024x128xf32, #tpu.memory_space<hbm>>
    %dma_start3A_213 = arith.constant 0 : i32
    %dma_start3A_214 = arith.constant 0 : i32
    %dma_start3A_215 = tpu.memref_slice %dma_start3A_212[%dma_start3A_213, %dma_start3A_214] : memref<101024x128xf32, #tpu.memory_space<hbm>> -> memref<101024x128xf32, #tpu.memory_space<hbm>>
    tpu.enqueue_indirect_dma source(%dma_start3A_215 : memref<101024x128xf32, #tpu.memory_space<hbm>>) target(%dma_start3A_206 : memref<50x128xf32, #tpu.memory_space<vmem>>) offsets(%dma_start3A_208 : memref<50xi32, #tpu.memory_space<vmem>>) semaphore(%arg13 : memref<!tpu.dma_semaphore, #tpu.memory_space<semaphore_mem>>)
    %dma_start3A_216 = arith.constant 150 : i32
    %dma_start3A_217 = arith.constant 0 : i32
    %dma_start3A_218 = tpu.memref_slice %arg10[%dma_start3A_216, %dma_start3A_217] : memref<200x128xf32, #tpu.memory_space<vmem>> -> memref<50x128xf32, #tpu.memory_space<vmem>>
    %dma_start3A_219 = arith.constant 616 : i32
    %dma_start3A_220 = tpu.memref_slice %arg7[%dma_start3A_219] : memref<28672xi32, #tpu.memory_space<vmem>> -> memref<50xi32, #tpu.memory_space<vmem>>
    %dma_start3A_221 = arith.constant 0 : i32
    %dma_start3A_222 = arith.constant 0 : i32
    %dma_start3A_223 = tpu.memref_slice %arg6[%arg0, %dma_start3A_221, %dma_start3A_222] : memref<2x101024x128xf32, #tpu.memory_space<hbm>> -> memref<1x101024x128xf32, #tpu.memory_space<hbm>>
    %dma_start3A_224 = tpu.memref_squeeze %dma_start3A_223 : memref<1x101024x128xf32, #tpu.memory_space<hbm>> -> memref<101024x128xf32, #tpu.memory_space<hbm>>
    %dma_start3A_225 = arith.constant 0 : i32
    %dma_start3A_226 = arith.constant 0 : i32
    %dma_start3A_227 = tpu.memref_slice %dma_start3A_224[%dma_start3A_225, %dma_start3A_226] : memref<101024x128xf32, #tpu.memory_space<hbm>> -> memref<101024x128xf32, #tpu.memory_space<hbm>>
    tpu.enqueue_indirect_dma source(%dma_start3A_227 : memref<101024x128xf32, #tpu.memory_space<hbm>>) target(%dma_start3A_218 : memref<50x128xf32, #tpu.memory_space<vmem>>) offsets(%dma_start3A_220 : memref<50xi32, #tpu.memory_space<vmem>>) semaphore(%arg13 : memref<!tpu.dma_semaphore, #tpu.memory_space<semaphore_mem>>)
    %scan3A_228 = arith.constant 0 : i32
    %scan3A_229 = arith.constant 0 : i32
    %scan3A_230 = arith.constant 42 : i32
    %scan3A_231 = arith.addi %scan3A_229, %scan3A_230 : i32
    %scan3A_232 = arith.constant 1 : i32
    %scan3A_233 = scf.for %scan3A_419 = %scan3A_229 to %scan3A_231 step %scan3A_232 iter_args(%scan3A_420 = %scan3A_228) -> (i32)  : i32 {
      %mul3A_421 = arith.constant 3 : i32
      %mul3A_422 = arith.muli %scan3A_419, %mul3A_421 : i32
      %add3A_423 = arith.constant 0 : i32
      %add3A_424 = arith.addi %mul3A_422, %add3A_423 : i32
      %dma_wait3A_425 = arith.constant 0 : i32
      %dma_wait3A_426 = arith.constant 0 : i32
      %dma_wait3A_427 = tpu.memref_slice %arg6[%arg0, %dma_wait3A_425, %dma_wait3A_426] : memref<2x101024x128xf32, #tpu.memory_space<hbm>> -> memref<1x200x128xf32, #tpu.memory_space<hbm>>
      %dma_wait3A_428 = tpu.memref_squeeze %dma_wait3A_427 : memref<1x200x128xf32, #tpu.memory_space<hbm>> -> memref<200x128xf32, #tpu.memory_space<hbm>>
      %dma_wait3A_429 = arith.constant 0 : i32
      %dma_wait3A_430 = arith.constant 0 : i32
      %dma_wait3A_431 = tpu.memref_slice %arg6[%arg0, %dma_wait3A_429, %dma_wait3A_430] : memref<2x101024x128xf32, #tpu.memory_space<hbm>> -> memref<1x200x128xf32, #tpu.memory_space<hbm>>
      %dma_wait3A_432 = tpu.memref_squeeze %dma_wait3A_431 : memref<1x200x128xf32, #tpu.memory_space<hbm>> -> memref<200x128xf32, #tpu.memory_space<hbm>>
      tpu.wait_dma2 semaphore(%arg11 : memref<!tpu.dma_semaphore, #tpu.memory_space<semaphore_mem>>) src(%dma_wait3A_432 : memref<200x128xf32, #tpu.memory_space<hbm>>) dst(%arg8 : memref<200x128xf32, #tpu.memory_space<vmem>>)
      %mul3A_433 = arith.constant 4 : i32
      %mul3A_434 = arith.muli %add3A_424, %mul3A_433 : i32
      %add3A_435 = arith.addi %mul3A_2, %mul3A_434 : i32
      %add3A_436 = arith.constant 0 : i32
      %add3A_437 = arith.addi %add3A_435, %add3A_436 : i32
      %dma_start3A_438 = arith.constant 0 : i32
      %dma_start3A_439 = arith.constant 0 : i32
      %dma_start3A_440 = tpu.memref_slice %arg8[%dma_start3A_438, %dma_start3A_439] : memref<200x128xf32, #tpu.memory_space<vmem>> -> memref<50x128xf32, #tpu.memory_space<vmem>>
      %dma_start3A_441 = arith.constant 0 : i32
      %dma_start3A_442 = arith.constant 0 : i32
      %dma_start3A_443 = tpu.memref_slice %arg5[%add3A_437, %dma_start3A_441, %dma_start3A_442] : memref<16384x50x128xf32, #tpu.memory_space<hbm>> -> memref<1x50x128xf32, #tpu.memory_space<hbm>>
      %dma_start3A_444 = tpu.memref_squeeze %dma_start3A_443 : memref<1x50x128xf32, #tpu.memory_space<hbm>> -> memref<50x128xf32, #tpu.memory_space<hbm>>
      %dma_start3A_445 = arith.constant 0 : i32
      %dma_start3A_446 = arith.constant 0 : i32
      %dma_start3A_447 = tpu.memref_slice %arg5[%add3A_437, %dma_start3A_445, %dma_start3A_446] : memref<16384x50x128xf32, #tpu.memory_space<hbm>> -> memref<1x50x128xf32, #tpu.memory_space<hbm>>
      %dma_start3A_448 = tpu.memref_squeeze %dma_start3A_447 : memref<1x50x128xf32, #tpu.memory_space<hbm>> -> memref<50x128xf32, #tpu.memory_space<hbm>>
      %dma_start3A_449 = arith.constant 0 : i32
      %dma_start3A_450 = arith.constant 0 : i32
      %dma_start3A_451 = tpu.memref_slice %arg8[%dma_start3A_449, %dma_start3A_450] : memref<200x128xf32, #tpu.memory_space<vmem>> -> memref<50x128xf32, #tpu.memory_space<vmem>>
      tpu.enqueue_dma source(%dma_start3A_451 : memref<50x128xf32, #tpu.memory_space<vmem>>) target(%dma_start3A_448 : memref<50x128xf32, #tpu.memory_space<hbm>>) target_semaphore(%arg14 : memref<!tpu.dma_semaphore, #tpu.memory_space<semaphore_mem>>)
      %mul3A_452 = arith.constant 4 : i32
      %mul3A_453 = arith.muli %add3A_424, %mul3A_452 : i32
      %add3A_454 = arith.addi %mul3A_2, %mul3A_453 : i32
      %add3A_455 = arith.constant 1 : i32
      %add3A_456 = arith.addi %add3A_454, %add3A_455 : i32
      %dma_start3A_457 = arith.constant 50 : i32
      %dma_start3A_458 = arith.constant 0 : i32
      %dma_start3A_459 = tpu.memref_slice %arg8[%dma_start3A_457, %dma_start3A_458] : memref<200x128xf32, #tpu.memory_space<vmem>> -> memref<50x128xf32, #tpu.memory_space<vmem>>
      %dma_start3A_460 = arith.constant 0 : i32
      %dma_start3A_461 = arith.constant 0 : i32
      %dma_start3A_462 = tpu.memref_slice %arg5[%add3A_456, %dma_start3A_460, %dma_start3A_461] : memref<16384x50x128xf32, #tpu.memory_space<hbm>> -> memref<1x50x128xf32, #tpu.memory_space<hbm>>
      %dma_start3A_463 = tpu.memref_squeeze %dma_start3A_462 : memref<1x50x128xf32, #tpu.memory_space<hbm>> -> memref<50x128xf32, #tpu.memory_space<hbm>>
      %dma_start3A_464 = arith.constant 0 : i32
      %dma_start3A_465 = arith.constant 0 : i32
      %dma_start3A_466 = tpu.memref_slice %arg5[%add3A_456, %dma_start3A_464, %dma_start3A_465] : memref<16384x50x128xf32, #tpu.memory_space<hbm>> -> memref<1x50x128xf32, #tpu.memory_space<hbm>>
      %dma_start3A_467 = tpu.memref_squeeze %dma_start3A_466 : memref<1x50x128xf32, #tpu.memory_space<hbm>> -> memref<50x128xf32, #tpu.memory_space<hbm>>
      %dma_start3A_468 = arith.constant 50 : i32
      %dma_start3A_469 = arith.constant 0 : i32
      %dma_start3A_470 = tpu.memref_slice %arg8[%dma_start3A_468, %dma_start3A_469] : memref<200x128xf32, #tpu.memory_space<vmem>> -> memref<50x128xf32, #tpu.memory_space<vmem>>
      tpu.enqueue_dma source(%dma_start3A_470 : memref<50x128xf32, #tpu.memory_space<vmem>>) target(%dma_start3A_467 : memref<50x128xf32, #tpu.memory_space<hbm>>) target_semaphore(%arg14 : memref<!tpu.dma_semaphore, #tpu.memory_space<semaphore_mem>>)
      %mul3A_471 = arith.constant 4 : i32
      %mul3A_472 = arith.muli %add3A_424, %mul3A_471 : i32
      %add3A_473 = arith.addi %mul3A_2, %mul3A_472 : i32
      %add3A_474 = arith.constant 2 : i32
      %add3A_475 = arith.addi %add3A_473, %add3A_474 : i32
      %dma_start3A_476 = arith.constant 100 : i32
      %dma_start3A_477 = arith.constant 0 : i32
      %dma_start3A_478 = tpu.memref_slice %arg8[%dma_start3A_476, %dma_start3A_477] : memref<200x128xf32, #tpu.memory_space<vmem>> -> memref<50x128xf32, #tpu.memory_space<vmem>>
      %dma_start3A_479 = arith.constant 0 : i32
      %dma_start3A_480 = arith.constant 0 : i32
      %dma_start3A_481 = tpu.memref_slice %arg5[%add3A_475, %dma_start3A_479, %dma_start3A_480] : memref<16384x50x128xf32, #tpu.memory_space<hbm>> -> memref<1x50x128xf32, #tpu.memory_space<hbm>>
      %dma_start3A_482 = tpu.memref_squeeze %dma_start3A_481 : memref<1x50x128xf32, #tpu.memory_space<hbm>> -> memref<50x128xf32, #tpu.memory_space<hbm>>
      %dma_start3A_483 = arith.constant 0 : i32
      %dma_start3A_484 = arith.constant 0 : i32
      %dma_start3A_485 = tpu.memref_slice %arg5[%add3A_475, %dma_start3A_483, %dma_start3A_484] : memref<16384x50x128xf32, #tpu.memory_space<hbm>> -> memref<1x50x128xf32, #tpu.memory_space<hbm>>
      %dma_start3A_486 = tpu.memref_squeeze %dma_start3A_485 : memref<1x50x128xf32, #tpu.memory_space<hbm>> -> memref<50x128xf32, #tpu.memory_space<hbm>>
      %dma_start3A_487 = arith.constant 100 : i32
      %dma_start3A_488 = arith.constant 0 : i32
      %dma_start3A_489 = tpu.memref_slice %arg8[%dma_start3A_487, %dma_start3A_488] : memref<200x128xf32, #tpu.memory_space<vmem>> -> memref<50x128xf32, #tpu.memory_space<vmem>>
      tpu.enqueue_dma source(%dma_start3A_489 : memref<50x128xf32, #tpu.memory_space<vmem>>) target(%dma_start3A_486 : memref<50x128xf32, #tpu.memory_space<hbm>>) target_semaphore(%arg14 : memref<!tpu.dma_semaphore, #tpu.memory_space<semaphore_mem>>)
      %mul3A_490 = arith.constant 4 : i32
      %mul3A_491 = arith.muli %add3A_424, %mul3A_490 : i32
      %add3A_492 = arith.addi %mul3A_2, %mul3A_491 : i32
      %add3A_493 = arith.constant 3 : i32
      %add3A_494 = arith.addi %add3A_492, %add3A_493 : i32
      %dma_start3A_495 = arith.constant 150 : i32
      %dma_start3A_496 = arith.constant 0 : i32
      %dma_start3A_497 = tpu.memref_slice %arg8[%dma_start3A_495, %dma_start3A_496] : memref<200x128xf32, #tpu.memory_space<vmem>> -> memref<50x128xf32, #tpu.memory_space<vmem>>
      %dma_start3A_498 = arith.constant 0 : i32
      %dma_start3A_499 = arith.constant 0 : i32
      %dma_start3A_500 = tpu.memref_slice %arg5[%add3A_494, %dma_start3A_498, %dma_start3A_499] : memref<16384x50x128xf32, #tpu.memory_space<hbm>> -> memref<1x50x128xf32, #tpu.memory_space<hbm>>
      %dma_start3A_501 = tpu.memref_squeeze %dma_start3A_500 : memref<1x50x128xf32, #tpu.memory_space<hbm>> -> memref<50x128xf32, #tpu.memory_space<hbm>>
      %dma_start3A_502 = arith.constant 0 : i32
      %dma_start3A_503 = arith.constant 0 : i32
      %dma_start3A_504 = tpu.memref_slice %arg5[%add3A_494, %dma_start3A_502, %dma_start3A_503] : memref<16384x50x128xf32, #tpu.memory_space<hbm>> -> memref<1x50x128xf32, #tpu.memory_space<hbm>>
      %dma_start3A_505 = tpu.memref_squeeze %dma_start3A_504 : memref<1x50x128xf32, #tpu.memory_space<hbm>> -> memref<50x128xf32, #tpu.memory_space<hbm>>
      %dma_start3A_506 = arith.constant 150 : i32
      %dma_start3A_507 = arith.constant 0 : i32
      %dma_start3A_508 = tpu.memref_slice %arg8[%dma_start3A_506, %dma_start3A_507] : memref<200x128xf32, #tpu.memory_space<vmem>> -> memref<50x128xf32, #tpu.memory_space<vmem>>
      tpu.enqueue_dma source(%dma_start3A_508 : memref<50x128xf32, #tpu.memory_space<vmem>>) target(%dma_start3A_505 : memref<50x128xf32, #tpu.memory_space<hbm>>) target_semaphore(%arg14 : memref<!tpu.dma_semaphore, #tpu.memory_space<semaphore_mem>>)
      %add3A_509 = arith.constant 3 : i32
      %add3A_510 = arith.addi %add3A_424, %add3A_509 : i32
      %lt3A_511 = arith.constant 128 : i32
      %lt3A_512 = arith.cmpi slt, %add3A_510, %lt3A_511 : i32
      %convert_element_type3A_513 = arith.extui %lt3A_512 : i1 to i32
      %cond3A_514 = arith.constant 0 : i32
      %cond3A_515 = arith.cmpi ne, %convert_element_type3A_513, %cond3A_514 : i32
      scf.if %cond3A_515 {
        %dma_wait3A_707 = arith.constant 0 : i32
        %dma_wait3A_708 = arith.constant 0 : i32
        %dma_wait3A_709 = tpu.memref_slice %arg6[%arg0, %dma_wait3A_707, %dma_wait3A_708] : memref<2x101024x128xf32, #tpu.memory_space<hbm>> -> memref<1x200x128xf32, #tpu.memory_space<hbm>>
        %dma_wait3A_710 = tpu.memref_squeeze %dma_wait3A_709 : memref<1x200x128xf32, #tpu.memory_space<hbm>> -> memref<200x128xf32, #tpu.memory_space<hbm>>
        %dma_wait3A_711 = arith.constant 0 : i32
        %dma_wait3A_712 = arith.constant 0 : i32
        %dma_wait3A_713 = tpu.memref_slice %arg6[%arg0, %dma_wait3A_711, %dma_wait3A_712] : memref<2x101024x128xf32, #tpu.memory_space<hbm>> -> memref<1x200x128xf32, #tpu.memory_space<hbm>>
        %dma_wait3A_714 = tpu.memref_squeeze %dma_wait3A_713 : memref<1x200x128xf32, #tpu.memory_space<hbm>> -> memref<200x128xf32, #tpu.memory_space<hbm>>
        tpu.wait_dma2 semaphore(%arg14 : memref<!tpu.dma_semaphore, #tpu.memory_space<semaphore_mem>>) src(%arg8 : memref<200x128xf32, #tpu.memory_space<vmem>>) dst(%dma_wait3A_714 : memref<200x128xf32, #tpu.memory_space<hbm>>)
        %add3A_715 = arith.constant 3 : i32
        %add3A_716 = arith.addi %add3A_424, %add3A_715 : i32
        %mul3A_717 = arith.constant 4 : i32
        %mul3A_718 = arith.muli %add3A_716, %mul3A_717 : i32
        %add3A_719 = arith.constant 0 : i32
        %add3A_720 = arith.addi %mul3A_718, %add3A_719 : i32
        %mul3A_721 = arith.constant 56 : i32
        %mul3A_722 = arith.muli %add3A_720, %mul3A_721 : i32
        %dma_start3A_723 = arith.constant 0 : i32
        %dma_start3A_724 = arith.constant 0 : i32
        %dma_start3A_725 = tpu.memref_slice %arg8[%dma_start3A_723, %dma_start3A_724] : memref<200x128xf32, #tpu.memory_space<vmem>> -> memref<50x128xf32, #tpu.memory_space<vmem>>
        %dma_start3A_726 = tpu.memref_slice %arg7[%mul3A_722] : memref<28672xi32, #tpu.memory_space<vmem>> -> memref<50xi32, #tpu.memory_space<vmem>>
        %dma_start3A_727 = arith.constant 0 : i32
        %dma_start3A_728 = arith.constant 0 : i32
        %dma_start3A_729 = tpu.memref_slice %arg6[%arg0, %dma_start3A_727, %dma_start3A_728] : memref<2x101024x128xf32, #tpu.memory_space<hbm>> -> memref<1x101024x128xf32, #tpu.memory_space<hbm>>
        %dma_start3A_730 = tpu.memref_squeeze %dma_start3A_729 : memref<1x101024x128xf32, #tpu.memory_space<hbm>> -> memref<101024x128xf32, #tpu.memory_space<hbm>>
        %dma_start3A_731 = arith.constant 0 : i32
        %dma_start3A_732 = arith.constant 0 : i32
        %dma_start3A_733 = tpu.memref_slice %dma_start3A_730[%dma_start3A_731, %dma_start3A_732] : memref<101024x128xf32, #tpu.memory_space<hbm>> -> memref<101024x128xf32, #tpu.memory_space<hbm>>
        tpu.enqueue_indirect_dma source(%dma_start3A_733 : memref<101024x128xf32, #tpu.memory_space<hbm>>) target(%dma_start3A_725 : memref<50x128xf32, #tpu.memory_space<vmem>>) offsets(%dma_start3A_726 : memref<50xi32, #tpu.memory_space<vmem>>) semaphore(%arg11 : memref<!tpu.dma_semaphore, #tpu.memory_space<semaphore_mem>>)
        %mul3A_734 = arith.constant 4 : i32
        %mul3A_735 = arith.muli %add3A_716, %mul3A_734 : i32
        %add3A_736 = arith.constant 1 : i32
        %add3A_737 = arith.addi %mul3A_735, %add3A_736 : i32
        %mul3A_738 = arith.constant 56 : i32
        %mul3A_739 = arith.muli %add3A_737, %mul3A_738 : i32
        %dma_start3A_740 = arith.constant 50 : i32
        %dma_start3A_741 = arith.constant 0 : i32
        %dma_start3A_742 = tpu.memref_slice %arg8[%dma_start3A_740, %dma_start3A_741] : memref<200x128xf32, #tpu.memory_space<vmem>> -> memref<50x128xf32, #tpu.memory_space<vmem>>
        %dma_start3A_743 = tpu.memref_slice %arg7[%mul3A_739] : memref<28672xi32, #tpu.memory_space<vmem>> -> memref<50xi32, #tpu.memory_space<vmem>>
        %dma_start3A_744 = arith.constant 0 : i32
        %dma_start3A_745 = arith.constant 0 : i32
        %dma_start3A_746 = tpu.memref_slice %arg6[%arg0, %dma_start3A_744, %dma_start3A_745] : memref<2x101024x128xf32, #tpu.memory_space<hbm>> -> memref<1x101024x128xf32, #tpu.memory_space<hbm>>
        %dma_start3A_747 = tpu.memref_squeeze %dma_start3A_746 : memref<1x101024x128xf32, #tpu.memory_space<hbm>> -> memref<101024x128xf32, #tpu.memory_space<hbm>>
        %dma_start3A_748 = arith.constant 0 : i32
        %dma_start3A_749 = arith.constant 0 : i32
        %dma_start3A_750 = tpu.memref_slice %dma_start3A_747[%dma_start3A_748, %dma_start3A_749] : memref<101024x128xf32, #tpu.memory_space<hbm>> -> memref<101024x128xf32, #tpu.memory_space<hbm>>
        tpu.enqueue_indirect_dma source(%dma_start3A_750 : memref<101024x128xf32, #tpu.memory_space<hbm>>) target(%dma_start3A_742 : memref<50x128xf32, #tpu.memory_space<vmem>>) offsets(%dma_start3A_743 : memref<50xi32, #tpu.memory_space<vmem>>) semaphore(%arg11 : memref<!tpu.dma_semaphore, #tpu.memory_space<semaphore_mem>>)
        %mul3A_751 = arith.constant 4 : i32
        %mul3A_752 = arith.muli %add3A_716, %mul3A_751 : i32
        %add3A_753 = arith.constant 2 : i32
        %add3A_754 = arith.addi %mul3A_752, %add3A_753 : i32
        %mul3A_755 = arith.constant 56 : i32
        %mul3A_756 = arith.muli %add3A_754, %mul3A_755 : i32
        %dma_start3A_757 = arith.constant 100 : i32
        %dma_start3A_758 = arith.constant 0 : i32
        %dma_start3A_759 = tpu.memref_slice %arg8[%dma_start3A_757, %dma_start3A_758] : memref<200x128xf32, #tpu.memory_space<vmem>> -> memref<50x128xf32, #tpu.memory_space<vmem>>
        %dma_start3A_760 = tpu.memref_slice %arg7[%mul3A_756] : memref<28672xi32, #tpu.memory_space<vmem>> -> memref<50xi32, #tpu.memory_space<vmem>>
        %dma_start3A_761 = arith.constant 0 : i32
        %dma_start3A_762 = arith.constant 0 : i32
        %dma_start3A_763 = tpu.memref_slice %arg6[%arg0, %dma_start3A_761, %dma_start3A_762] : memref<2x101024x128xf32, #tpu.memory_space<hbm>> -> memref<1x101024x128xf32, #tpu.memory_space<hbm>>
        %dma_start3A_764 = tpu.memref_squeeze %dma_start3A_763 : memref<1x101024x128xf32, #tpu.memory_space<hbm>> -> memref<101024x128xf32, #tpu.memory_space<hbm>>
        %dma_start3A_765 = arith.constant 0 : i32
        %dma_start3A_766 = arith.constant 0 : i32
        %dma_start3A_767 = tpu.memref_slice %dma_start3A_764[%dma_start3A_765, %dma_start3A_766] : memref<101024x128xf32, #tpu.memory_space<hbm>> -> memref<101024x128xf32, #tpu.memory_space<hbm>>
        tpu.enqueue_indirect_dma source(%dma_start3A_767 : memref<101024x128xf32, #tpu.memory_space<hbm>>) target(%dma_start3A_759 : memref<50x128xf32, #tpu.memory_space<vmem>>) offsets(%dma_start3A_760 : memref<50xi32, #tpu.memory_space<vmem>>) semaphore(%arg11 : memref<!tpu.dma_semaphore, #tpu.memory_space<semaphore_mem>>)
        %mul3A_768 = arith.constant 4 : i32
        %mul3A_769 = arith.muli %add3A_716, %mul3A_768 : i32
        %add3A_770 = arith.constant 3 : i32
        %add3A_771 = arith.addi %mul3A_769, %add3A_770 : i32
        %mul3A_772 = arith.constant 56 : i32
        %mul3A_773 = arith.muli %add3A_771, %mul3A_772 : i32
        %dma_start3A_774 = arith.constant 150 : i32
        %dma_start3A_775 = arith.constant 0 : i32
        %dma_start3A_776 = tpu.memref_slice %arg8[%dma_start3A_774, %dma_start3A_775] : memref<200x128xf32, #tpu.memory_space<vmem>> -> memref<50x128xf32, #tpu.memory_space<vmem>>
        %dma_start3A_777 = tpu.memref_slice %arg7[%mul3A_773] : memref<28672xi32, #tpu.memory_space<vmem>> -> memref<50xi32, #tpu.memory_space<vmem>>
        %dma_start3A_778 = arith.constant 0 : i32
        %dma_start3A_779 = arith.constant 0 : i32
        %dma_start3A_780 = tpu.memref_slice %arg6[%arg0, %dma_start3A_778, %dma_start3A_779] : memref<2x101024x128xf32, #tpu.memory_space<hbm>> -> memref<1x101024x128xf32, #tpu.memory_space<hbm>>
        %dma_start3A_781 = tpu.memref_squeeze %dma_start3A_780 : memref<1x101024x128xf32, #tpu.memory_space<hbm>> -> memref<101024x128xf32, #tpu.memory_space<hbm>>
        %dma_start3A_782 = arith.constant 0 : i32
        %dma_start3A_783 = arith.constant 0 : i32
        %dma_start3A_784 = tpu.memref_slice %dma_start3A_781[%dma_start3A_782, %dma_start3A_783] : memref<101024x128xf32, #tpu.memory_space<hbm>> -> memref<101024x128xf32, #tpu.memory_space<hbm>>
        tpu.enqueue_indirect_dma source(%dma_start3A_784 : memref<101024x128xf32, #tpu.memory_space<hbm>>) target(%dma_start3A_776 : memref<50x128xf32, #tpu.memory_space<vmem>>) offsets(%dma_start3A_777 : memref<50xi32, #tpu.memory_space<vmem>>) semaphore(%arg11 : memref<!tpu.dma_semaphore, #tpu.memory_space<semaphore_mem>>)
      } else {
      }
      %mul3A_516 = arith.constant 3 : i32
      %mul3A_517 = arith.muli %scan3A_419, %mul3A_516 : i32
      %add3A_518 = arith.constant 1 : i32
      %add3A_519 = arith.addi %mul3A_517, %add3A_518 : i32
      %dma_wait3A_520 = arith.constant 0 : i32
      %dma_wait3A_521 = arith.constant 0 : i32
      %dma_wait3A_522 = tpu.memref_slice %arg6[%arg0, %dma_wait3A_520, %dma_wait3A_521] : memref<2x101024x128xf32, #tpu.memory_space<hbm>> -> memref<1x200x128xf32, #tpu.memory_space<hbm>>
      %dma_wait3A_523 = tpu.memref_squeeze %dma_wait3A_522 : memref<1x200x128xf32, #tpu.memory_space<hbm>> -> memref<200x128xf32, #tpu.memory_space<hbm>>
      %dma_wait3A_524 = arith.constant 0 : i32
      %dma_wait3A_525 = arith.constant 0 : i32
      %dma_wait3A_526 = tpu.memref_slice %arg6[%arg0, %dma_wait3A_524, %dma_wait3A_525] : memref<2x101024x128xf32, #tpu.memory_space<hbm>> -> memref<1x200x128xf32, #tpu.memory_space<hbm>>
      %dma_wait3A_527 = tpu.memref_squeeze %dma_wait3A_526 : memref<1x200x128xf32, #tpu.memory_space<hbm>> -> memref<200x128xf32, #tpu.memory_space<hbm>>
      tpu.wait_dma2 semaphore(%arg12 : memref<!tpu.dma_semaphore, #tpu.memory_space<semaphore_mem>>) src(%dma_wait3A_527 : memref<200x128xf32, #tpu.memory_space<hbm>>) dst(%arg9 : memref<200x128xf32, #tpu.memory_space<vmem>>)
      %mul3A_528 = arith.constant 4 : i32
      %mul3A_529 = arith.muli %add3A_519, %mul3A_528 : i32
      %add3A_530 = arith.addi %mul3A_2, %mul3A_529 : i32
      %add3A_531 = arith.constant 0 : i32
      %add3A_532 = arith.addi %add3A_530, %add3A_531 : i32
      %dma_start3A_533 = arith.constant 0 : i32
      %dma_start3A_534 = arith.constant 0 : i32
      %dma_start3A_535 = tpu.memref_slice %arg9[%dma_start3A_533, %dma_start3A_534] : memref<200x128xf32, #tpu.memory_space<vmem>> -> memref<50x128xf32, #tpu.memory_space<vmem>>
      %dma_start3A_536 = arith.constant 0 : i32
      %dma_start3A_537 = arith.constant 0 : i32
      %dma_start3A_538 = tpu.memref_slice %arg5[%add3A_532, %dma_start3A_536, %dma_start3A_537] : memref<16384x50x128xf32, #tpu.memory_space<hbm>> -> memref<1x50x128xf32, #tpu.memory_space<hbm>>
      %dma_start3A_539 = tpu.memref_squeeze %dma_start3A_538 : memref<1x50x128xf32, #tpu.memory_space<hbm>> -> memref<50x128xf32, #tpu.memory_space<hbm>>
      %dma_start3A_540 = arith.constant 0 : i32
      %dma_start3A_541 = arith.constant 0 : i32
      %dma_start3A_542 = tpu.memref_slice %arg5[%add3A_532, %dma_start3A_540, %dma_start3A_541] : memref<16384x50x128xf32, #tpu.memory_space<hbm>> -> memref<1x50x128xf32, #tpu.memory_space<hbm>>
      %dma_start3A_543 = tpu.memref_squeeze %dma_start3A_542 : memref<1x50x128xf32, #tpu.memory_space<hbm>> -> memref<50x128xf32, #tpu.memory_space<hbm>>
      %dma_start3A_544 = arith.constant 0 : i32
      %dma_start3A_545 = arith.constant 0 : i32
      %dma_start3A_546 = tpu.memref_slice %arg9[%dma_start3A_544, %dma_start3A_545] : memref<200x128xf32, #tpu.memory_space<vmem>> -> memref<50x128xf32, #tpu.memory_space<vmem>>
      tpu.enqueue_dma source(%dma_start3A_546 : memref<50x128xf32, #tpu.memory_space<vmem>>) target(%dma_start3A_543 : memref<50x128xf32, #tpu.memory_space<hbm>>) target_semaphore(%arg15 : memref<!tpu.dma_semaphore, #tpu.memory_space<semaphore_mem>>)
      %mul3A_547 = arith.constant 4 : i32
      %mul3A_548 = arith.muli %add3A_519, %mul3A_547 : i32
      %add3A_549 = arith.addi %mul3A_2, %mul3A_548 : i32
      %add3A_550 = arith.constant 1 : i32
      %add3A_551 = arith.addi %add3A_549, %add3A_550 : i32
      %dma_start3A_552 = arith.constant 50 : i32
      %dma_start3A_553 = arith.constant 0 : i32
      %dma_start3A_554 = tpu.memref_slice %arg9[%dma_start3A_552, %dma_start3A_553] : memref<200x128xf32, #tpu.memory_space<vmem>> -> memref<50x128xf32, #tpu.memory_space<vmem>>
      %dma_start3A_555 = arith.constant 0 : i32
      %dma_start3A_556 = arith.constant 0 : i32
      %dma_start3A_557 = tpu.memref_slice %arg5[%add3A_551, %dma_start3A_555, %dma_start3A_556] : memref<16384x50x128xf32, #tpu.memory_space<hbm>> -> memref<1x50x128xf32, #tpu.memory_space<hbm>>
      %dma_start3A_558 = tpu.memref_squeeze %dma_start3A_557 : memref<1x50x128xf32, #tpu.memory_space<hbm>> -> memref<50x128xf32, #tpu.memory_space<hbm>>
      %dma_start3A_559 = arith.constant 0 : i32
      %dma_start3A_560 = arith.constant 0 : i32
      %dma_start3A_561 = tpu.memref_slice %arg5[%add3A_551, %dma_start3A_559, %dma_start3A_560] : memref<16384x50x128xf32, #tpu.memory_space<hbm>> -> memref<1x50x128xf32, #tpu.memory_space<hbm>>
      %dma_start3A_562 = tpu.memref_squeeze %dma_start3A_561 : memref<1x50x128xf32, #tpu.memory_space<hbm>> -> memref<50x128xf32, #tpu.memory_space<hbm>>
      %dma_start3A_563 = arith.constant 50 : i32
      %dma_start3A_564 = arith.constant 0 : i32
      %dma_start3A_565 = tpu.memref_slice %arg9[%dma_start3A_563, %dma_start3A_564] : memref<200x128xf32, #tpu.memory_space<vmem>> -> memref<50x128xf32, #tpu.memory_space<vmem>>
      tpu.enqueue_dma source(%dma_start3A_565 : memref<50x128xf32, #tpu.memory_space<vmem>>) target(%dma_start3A_562 : memref<50x128xf32, #tpu.memory_space<hbm>>) target_semaphore(%arg15 : memref<!tpu.dma_semaphore, #tpu.memory_space<semaphore_mem>>)
      %mul3A_566 = arith.constant 4 : i32
      %mul3A_567 = arith.muli %add3A_519, %mul3A_566 : i32
      %add3A_568 = arith.addi %mul3A_2, %mul3A_567 : i32
      %add3A_569 = arith.constant 2 : i32
      %add3A_570 = arith.addi %add3A_568, %add3A_569 : i32
      %dma_start3A_571 = arith.constant 100 : i32
      %dma_start3A_572 = arith.constant 0 : i32
      %dma_start3A_573 = tpu.memref_slice %arg9[%dma_start3A_571, %dma_start3A_572] : memref<200x128xf32, #tpu.memory_space<vmem>> -> memref<50x128xf32, #tpu.memory_space<vmem>>
      %dma_start3A_574 = arith.constant 0 : i32
      %dma_start3A_575 = arith.constant 0 : i32
      %dma_start3A_576 = tpu.memref_slice %arg5[%add3A_570, %dma_start3A_574, %dma_start3A_575] : memref<16384x50x128xf32, #tpu.memory_space<hbm>> -> memref<1x50x128xf32, #tpu.memory_space<hbm>>
      %dma_start3A_577 = tpu.memref_squeeze %dma_start3A_576 : memref<1x50x128xf32, #tpu.memory_space<hbm>> -> memref<50x128xf32, #tpu.memory_space<hbm>>
      %dma_start3A_578 = arith.constant 0 : i32
      %dma_start3A_579 = arith.constant 0 : i32
      %dma_start3A_580 = tpu.memref_slice %arg5[%add3A_570, %dma_start3A_578, %dma_start3A_579] : memref<16384x50x128xf32, #tpu.memory_space<hbm>> -> memref<1x50x128xf32, #tpu.memory_space<hbm>>
      %dma_start3A_581 = tpu.memref_squeeze %dma_start3A_580 : memref<1x50x128xf32, #tpu.memory_space<hbm>> -> memref<50x128xf32, #tpu.memory_space<hbm>>
      %dma_start3A_582 = arith.constant 100 : i32
      %dma_start3A_583 = arith.constant 0 : i32
      %dma_start3A_584 = tpu.memref_slice %arg9[%dma_start3A_582, %dma_start3A_583] : memref<200x128xf32, #tpu.memory_space<vmem>> -> memref<50x128xf32, #tpu.memory_space<vmem>>
      tpu.enqueue_dma source(%dma_start3A_584 : memref<50x128xf32, #tpu.memory_space<vmem>>) target(%dma_start3A_581 : memref<50x128xf32, #tpu.memory_space<hbm>>) target_semaphore(%arg15 : memref<!tpu.dma_semaphore, #tpu.memory_space<semaphore_mem>>)
      %mul3A_585 = arith.constant 4 : i32
      %mul3A_586 = arith.muli %add3A_519, %mul3A_585 : i32
      %add3A_587 = arith.addi %mul3A_2, %mul3A_586 : i32
      %add3A_588 = arith.constant 3 : i32
      %add3A_589 = arith.addi %add3A_587, %add3A_588 : i32
      %dma_start3A_590 = arith.constant 150 : i32
      %dma_start3A_591 = arith.constant 0 : i32
      %dma_start3A_592 = tpu.memref_slice %arg9[%dma_start3A_590, %dma_start3A_591] : memref<200x128xf32, #tpu.memory_space<vmem>> -> memref<50x128xf32, #tpu.memory_space<vmem>>
      %dma_start3A_593 = arith.constant 0 : i32
      %dma_start3A_594 = arith.constant 0 : i32
      %dma_start3A_595 = tpu.memref_slice %arg5[%add3A_589, %dma_start3A_593, %dma_start3A_594] : memref<16384x50x128xf32, #tpu.memory_space<hbm>> -> memref<1x50x128xf32, #tpu.memory_space<hbm>>
      %dma_start3A_596 = tpu.memref_squeeze %dma_start3A_595 : memref<1x50x128xf32, #tpu.memory_space<hbm>> -> memref<50x128xf32, #tpu.memory_space<hbm>>
      %dma_start3A_597 = arith.constant 0 : i32
      %dma_start3A_598 = arith.constant 0 : i32
      %dma_start3A_599 = tpu.memref_slice %arg5[%add3A_589, %dma_start3A_597, %dma_start3A_598] : memref<16384x50x128xf32, #tpu.memory_space<hbm>> -> memref<1x50x128xf32, #tpu.memory_space<hbm>>
      %dma_start3A_600 = tpu.memref_squeeze %dma_start3A_599 : memref<1x50x128xf32, #tpu.memory_space<hbm>> -> memref<50x128xf32, #tpu.memory_space<hbm>>
      %dma_start3A_601 = arith.constant 150 : i32
      %dma_start3A_602 = arith.constant 0 : i32
      %dma_start3A_603 = tpu.memref_slice %arg9[%dma_start3A_601, %dma_start3A_602] : memref<200x128xf32, #tpu.memory_space<vmem>> -> memref<50x128xf32, #tpu.memory_space<vmem>>
      tpu.enqueue_dma source(%dma_start3A_603 : memref<50x128xf32, #tpu.memory_space<vmem>>) target(%dma_start3A_600 : memref<50x128xf32, #tpu.memory_space<hbm>>) target_semaphore(%arg15 : memref<!tpu.dma_semaphore, #tpu.memory_space<semaphore_mem>>)
      %add3A_604 = arith.constant 3 : i32
      %add3A_605 = arith.addi %add3A_519, %add3A_604 : i32
      %lt3A_606 = arith.constant 128 : i32
      %lt3A_607 = arith.cmpi slt, %add3A_605, %lt3A_606 : i32
      %convert_element_type3A_608 = arith.extui %lt3A_607 : i1 to i32
      %cond3A_609 = arith.constant 0 : i32
      %cond3A_610 = arith.cmpi ne, %convert_element_type3A_608, %cond3A_609 : i32
      scf.if %cond3A_610 {
        %dma_wait3A_707 = arith.constant 0 : i32
        %dma_wait3A_708 = arith.constant 0 : i32
        %dma_wait3A_709 = tpu.memref_slice %arg6[%arg0, %dma_wait3A_707, %dma_wait3A_708] : memref<2x101024x128xf32, #tpu.memory_space<hbm>> -> memref<1x200x128xf32, #tpu.memory_space<hbm>>
        %dma_wait3A_710 = tpu.memref_squeeze %dma_wait3A_709 : memref<1x200x128xf32, #tpu.memory_space<hbm>> -> memref<200x128xf32, #tpu.memory_space<hbm>>
        %dma_wait3A_711 = arith.constant 0 : i32
        %dma_wait3A_712 = arith.constant 0 : i32
        %dma_wait3A_713 = tpu.memref_slice %arg6[%arg0, %dma_wait3A_711, %dma_wait3A_712] : memref<2x101024x128xf32, #tpu.memory_space<hbm>> -> memref<1x200x128xf32, #tpu.memory_space<hbm>>
        %dma_wait3A_714 = tpu.memref_squeeze %dma_wait3A_713 : memref<1x200x128xf32, #tpu.memory_space<hbm>> -> memref<200x128xf32, #tpu.memory_space<hbm>>
        tpu.wait_dma2 semaphore(%arg15 : memref<!tpu.dma_semaphore, #tpu.memory_space<semaphore_mem>>) src(%arg9 : memref<200x128xf32, #tpu.memory_space<vmem>>) dst(%dma_wait3A_714 : memref<200x128xf32, #tpu.memory_space<hbm>>)
        %add3A_715 = arith.constant 3 : i32
        %add3A_716 = arith.addi %add3A_519, %add3A_715 : i32
        %mul3A_717 = arith.constant 4 : i32
        %mul3A_718 = arith.muli %add3A_716, %mul3A_717 : i32
        %add3A_719 = arith.constant 0 : i32
        %add3A_720 = arith.addi %mul3A_718, %add3A_719 : i32
        %mul3A_721 = arith.constant 56 : i32
        %mul3A_722 = arith.muli %add3A_720, %mul3A_721 : i32
        %dma_start3A_723 = arith.constant 0 : i32
        %dma_start3A_724 = arith.constant 0 : i32
        %dma_start3A_725 = tpu.memref_slice %arg9[%dma_start3A_723, %dma_start3A_724] : memref<200x128xf32, #tpu.memory_space<vmem>> -> memref<50x128xf32, #tpu.memory_space<vmem>>
        %dma_start3A_726 = tpu.memref_slice %arg7[%mul3A_722] : memref<28672xi32, #tpu.memory_space<vmem>> -> memref<50xi32, #tpu.memory_space<vmem>>
        %dma_start3A_727 = arith.constant 0 : i32
        %dma_start3A_728 = arith.constant 0 : i32
        %dma_start3A_729 = tpu.memref_slice %arg6[%arg0, %dma_start3A_727, %dma_start3A_728] : memref<2x101024x128xf32, #tpu.memory_space<hbm>> -> memref<1x101024x128xf32, #tpu.memory_space<hbm>>
        %dma_start3A_730 = tpu.memref_squeeze %dma_start3A_729 : memref<1x101024x128xf32, #tpu.memory_space<hbm>> -> memref<101024x128xf32, #tpu.memory_space<hbm>>
        %dma_start3A_731 = arith.constant 0 : i32
        %dma_start3A_732 = arith.constant 0 : i32
        %dma_start3A_733 = tpu.memref_slice %dma_start3A_730[%dma_start3A_731, %dma_start3A_732] : memref<101024x128xf32, #tpu.memory_space<hbm>> -> memref<101024x128xf32, #tpu.memory_space<hbm>>
        tpu.enqueue_indirect_dma source(%dma_start3A_733 : memref<101024x128xf32, #tpu.memory_space<hbm>>) target(%dma_start3A_725 : memref<50x128xf32, #tpu.memory_space<vmem>>) offsets(%dma_start3A_726 : memref<50xi32, #tpu.memory_space<vmem>>) semaphore(%arg12 : memref<!tpu.dma_semaphore, #tpu.memory_space<semaphore_mem>>)
        %mul3A_734 = arith.constant 4 : i32
        %mul3A_735 = arith.muli %add3A_716, %mul3A_734 : i32
        %add3A_736 = arith.constant 1 : i32
        %add3A_737 = arith.addi %mul3A_735, %add3A_736 : i32
        %mul3A_738 = arith.constant 56 : i32
        %mul3A_739 = arith.muli %add3A_737, %mul3A_738 : i32
        %dma_start3A_740 = arith.constant 50 : i32
        %dma_start3A_741 = arith.constant 0 : i32
        %dma_start3A_742 = tpu.memref_slice %arg9[%dma_start3A_740, %dma_start3A_741] : memref<200x128xf32, #tpu.memory_space<vmem>> -> memref<50x128xf32, #tpu.memory_space<vmem>>
        %dma_start3A_743 = tpu.memref_slice %arg7[%mul3A_739] : memref<28672xi32, #tpu.memory_space<vmem>> -> memref<50xi32, #tpu.memory_space<vmem>>
        %dma_start3A_744 = arith.constant 0 : i32
        %dma_start3A_745 = arith.constant 0 : i32
        %dma_start3A_746 = tpu.memref_slice %arg6[%arg0, %dma_start3A_744, %dma_start3A_745] : memref<2x101024x128xf32, #tpu.memory_space<hbm>> -> memref<1x101024x128xf32, #tpu.memory_space<hbm>>
        %dma_start3A_747 = tpu.memref_squeeze %dma_start3A_746 : memref<1x101024x128xf32, #tpu.memory_space<hbm>> -> memref<101024x128xf32, #tpu.memory_space<hbm>>
        %dma_start3A_748 = arith.constant 0 : i32
        %dma_start3A_749 = arith.constant 0 : i32
        %dma_start3A_750 = tpu.memref_slice %dma_start3A_747[%dma_start3A_748, %dma_start3A_749] : memref<101024x128xf32, #tpu.memory_space<hbm>> -> memref<101024x128xf32, #tpu.memory_space<hbm>>
        tpu.enqueue_indirect_dma source(%dma_start3A_750 : memref<101024x128xf32, #tpu.memory_space<hbm>>) target(%dma_start3A_742 : memref<50x128xf32, #tpu.memory_space<vmem>>) offsets(%dma_start3A_743 : memref<50xi32, #tpu.memory_space<vmem>>) semaphore(%arg12 : memref<!tpu.dma_semaphore, #tpu.memory_space<semaphore_mem>>)
        %mul3A_751 = arith.constant 4 : i32
        %mul3A_752 = arith.muli %add3A_716, %mul3A_751 : i32
        %add3A_753 = arith.constant 2 : i32
        %add3A_754 = arith.addi %mul3A_752, %add3A_753 : i32
        %mul3A_755 = arith.constant 56 : i32
        %mul3A_756 = arith.muli %add3A_754, %mul3A_755 : i32
        %dma_start3A_757 = arith.constant 100 : i32
        %dma_start3A_758 = arith.constant 0 : i32
        %dma_start3A_759 = tpu.memref_slice %arg9[%dma_start3A_757, %dma_start3A_758] : memref<200x128xf32, #tpu.memory_space<vmem>> -> memref<50x128xf32, #tpu.memory_space<vmem>>
        %dma_start3A_760 = tpu.memref_slice %arg7[%mul3A_756] : memref<28672xi32, #tpu.memory_space<vmem>> -> memref<50xi32, #tpu.memory_space<vmem>>
        %dma_start3A_761 = arith.constant 0 : i32
        %dma_start3A_762 = arith.constant 0 : i32
        %dma_start3A_763 = tpu.memref_slice %arg6[%arg0, %dma_start3A_761, %dma_start3A_762] : memref<2x101024x128xf32, #tpu.memory_space<hbm>> -> memref<1x101024x128xf32, #tpu.memory_space<hbm>>
        %dma_start3A_764 = tpu.memref_squeeze %dma_start3A_763 : memref<1x101024x128xf32, #tpu.memory_space<hbm>> -> memref<101024x128xf32, #tpu.memory_space<hbm>>
        %dma_start3A_765 = arith.constant 0 : i32
        %dma_start3A_766 = arith.constant 0 : i32
        %dma_start3A_767 = tpu.memref_slice %dma_start3A_764[%dma_start3A_765, %dma_start3A_766] : memref<101024x128xf32, #tpu.memory_space<hbm>> -> memref<101024x128xf32, #tpu.memory_space<hbm>>
        tpu.enqueue_indirect_dma source(%dma_start3A_767 : memref<101024x128xf32, #tpu.memory_space<hbm>>) target(%dma_start3A_759 : memref<50x128xf32, #tpu.memory_space<vmem>>) offsets(%dma_start3A_760 : memref<50xi32, #tpu.memory_space<vmem>>) semaphore(%arg12 : memref<!tpu.dma_semaphore, #tpu.memory_space<semaphore_mem>>)
        %mul3A_768 = arith.constant 4 : i32
        %mul3A_769 = arith.muli %add3A_716, %mul3A_768 : i32
        %add3A_770 = arith.constant 3 : i32
        %add3A_771 = arith.addi %mul3A_769, %add3A_770 : i32
        %mul3A_772 = arith.constant 56 : i32
        %mul3A_773 = arith.muli %add3A_771, %mul3A_772 : i32
        %dma_start3A_774 = arith.constant 150 : i32
        %dma_start3A_775 = arith.constant 0 : i32
        %dma_start3A_776 = tpu.memref_slice %arg9[%dma_start3A_774, %dma_start3A_775] : memref<200x128xf32, #tpu.memory_space<vmem>> -> memref<50x128xf32, #tpu.memory_space<vmem>>
        %dma_start3A_777 = tpu.memref_slice %arg7[%mul3A_773] : memref<28672xi32, #tpu.memory_space<vmem>> -> memref<50xi32, #tpu.memory_space<vmem>>
        %dma_start3A_778 = arith.constant 0 : i32
        %dma_start3A_779 = arith.constant 0 : i32
        %dma_start3A_780 = tpu.memref_slice %arg6[%arg0, %dma_start3A_778, %dma_start3A_779] : memref<2x101024x128xf32, #tpu.memory_space<hbm>> -> memref<1x101024x128xf32, #tpu.memory_space<hbm>>
        %dma_start3A_781 = tpu.memref_squeeze %dma_start3A_780 : memref<1x101024x128xf32, #tpu.memory_space<hbm>> -> memref<101024x128xf32, #tpu.memory_space<hbm>>
        %dma_start3A_782 = arith.constant 0 : i32
        %dma_start3A_783 = arith.constant 0 : i32
        %dma_start3A_784 = tpu.memref_slice %dma_start3A_781[%dma_start3A_782, %dma_start3A_783] : memref<101024x128xf32, #tpu.memory_space<hbm>> -> memref<101024x128xf32, #tpu.memory_space<hbm>>
        tpu.enqueue_indirect_dma source(%dma_start3A_784 : memref<101024x128xf32, #tpu.memory_space<hbm>>) target(%dma_start3A_776 : memref<50x128xf32, #tpu.memory_space<vmem>>) offsets(%dma_start3A_777 : memref<50xi32, #tpu.memory_space<vmem>>) semaphore(%arg12 : memref<!tpu.dma_semaphore, #tpu.memory_space<semaphore_mem>>)
      } else {
      }
      %mul3A_611 = arith.constant 3 : i32
      %mul3A_612 = arith.muli %scan3A_419, %mul3A_611 : i32
      %add3A_613 = arith.constant 2 : i32
      %add3A_614 = arith.addi %mul3A_612, %add3A_613 : i32
      %dma_wait3A_615 = arith.constant 0 : i32
      %dma_wait3A_616 = arith.constant 0 : i32
      %dma_wait3A_617 = tpu.memref_slice %arg6[%arg0, %dma_wait3A_615, %dma_wait3A_616] : memref<2x101024x128xf32, #tpu.memory_space<hbm>> -> memref<1x200x128xf32, #tpu.memory_space<hbm>>
      %dma_wait3A_618 = tpu.memref_squeeze %dma_wait3A_617 : memref<1x200x128xf32, #tpu.memory_space<hbm>> -> memref<200x128xf32, #tpu.memory_space<hbm>>
      %dma_wait3A_619 = arith.constant 0 : i32
      %dma_wait3A_620 = arith.constant 0 : i32
      %dma_wait3A_621 = tpu.memref_slice %arg6[%arg0, %dma_wait3A_619, %dma_wait3A_620] : memref<2x101024x128xf32, #tpu.memory_space<hbm>> -> memref<1x200x128xf32, #tpu.memory_space<hbm>>
      %dma_wait3A_622 = tpu.memref_squeeze %dma_wait3A_621 : memref<1x200x128xf32, #tpu.memory_space<hbm>> -> memref<200x128xf32, #tpu.memory_space<hbm>>
      tpu.wait_dma2 semaphore(%arg13 : memref<!tpu.dma_semaphore, #tpu.memory_space<semaphore_mem>>) src(%dma_wait3A_622 : memref<200x128xf32, #tpu.memory_space<hbm>>) dst(%arg10 : memref<200x128xf32, #tpu.memory_space<vmem>>)
      %mul3A_623 = arith.constant 4 : i32
      %mul3A_624 = arith.muli %add3A_614, %mul3A_623 : i32
      %add3A_625 = arith.addi %mul3A_2, %mul3A_624 : i32
      %add3A_626 = arith.constant 0 : i32
      %add3A_627 = arith.addi %add3A_625, %add3A_626 : i32
      %dma_start3A_628 = arith.constant 0 : i32
      %dma_start3A_629 = arith.constant 0 : i32
      %dma_start3A_630 = tpu.memref_slice %arg10[%dma_start3A_628, %dma_start3A_629] : memref<200x128xf32, #tpu.memory_space<vmem>> -> memref<50x128xf32, #tpu.memory_space<vmem>>
      %dma_start3A_631 = arith.constant 0 : i32
      %dma_start3A_632 = arith.constant 0 : i32
      %dma_start3A_633 = tpu.memref_slice %arg5[%add3A_627, %dma_start3A_631, %dma_start3A_632] : memref<16384x50x128xf32, #tpu.memory_space<hbm>> -> memref<1x50x128xf32, #tpu.memory_space<hbm>>
      %dma_start3A_634 = tpu.memref_squeeze %dma_start3A_633 : memref<1x50x128xf32, #tpu.memory_space<hbm>> -> memref<50x128xf32, #tpu.memory_space<hbm>>
      %dma_start3A_635 = arith.constant 0 : i32
      %dma_start3A_636 = arith.constant 0 : i32
      %dma_start3A_637 = tpu.memref_slice %arg5[%add3A_627, %dma_start3A_635, %dma_start3A_636] : memref<16384x50x128xf32, #tpu.memory_space<hbm>> -> memref<1x50x128xf32, #tpu.memory_space<hbm>>
      %dma_start3A_638 = tpu.memref_squeeze %dma_start3A_637 : memref<1x50x128xf32, #tpu.memory_space<hbm>> -> memref<50x128xf32, #tpu.memory_space<hbm>>
      %dma_start3A_639 = arith.constant 0 : i32
      %dma_start3A_640 = arith.constant 0 : i32
      %dma_start3A_641 = tpu.memref_slice %arg10[%dma_start3A_639, %dma_start3A_640] : memref<200x128xf32, #tpu.memory_space<vmem>> -> memref<50x128xf32, #tpu.memory_space<vmem>>
      tpu.enqueue_dma source(%dma_start3A_641 : memref<50x128xf32, #tpu.memory_space<vmem>>) target(%dma_start3A_638 : memref<50x128xf32, #tpu.memory_space<hbm>>) target_semaphore(%arg16 : memref<!tpu.dma_semaphore, #tpu.memory_space<semaphore_mem>>)
      %mul3A_642 = arith.constant 4 : i32
      %mul3A_643 = arith.muli %add3A_614, %mul3A_642 : i32
      %add3A_644 = arith.addi %mul3A_2, %mul3A_643 : i32
      %add3A_645 = arith.constant 1 : i32
      %add3A_646 = arith.addi %add3A_644, %add3A_645 : i32
      %dma_start3A_647 = arith.constant 50 : i32
      %dma_start3A_648 = arith.constant 0 : i32
      %dma_start3A_649 = tpu.memref_slice %arg10[%dma_start3A_647, %dma_start3A_648] : memref<200x128xf32, #tpu.memory_space<vmem>> -> memref<50x128xf32, #tpu.memory_space<vmem>>
      %dma_start3A_650 = arith.constant 0 : i32
      %dma_start3A_651 = arith.constant 0 : i32
      %dma_start3A_652 = tpu.memref_slice %arg5[%add3A_646, %dma_start3A_650, %dma_start3A_651] : memref<16384x50x128xf32, #tpu.memory_space<hbm>> -> memref<1x50x128xf32, #tpu.memory_space<hbm>>
      %dma_start3A_653 = tpu.memref_squeeze %dma_start3A_652 : memref<1x50x128xf32, #tpu.memory_space<hbm>> -> memref<50x128xf32, #tpu.memory_space<hbm>>
      %dma_start3A_654 = arith.constant 0 : i32
      %dma_start3A_655 = arith.constant 0 : i32
      %dma_start3A_656 = tpu.memref_slice %arg5[%add3A_646, %dma_start3A_654, %dma_start3A_655] : memref<16384x50x128xf32, #tpu.memory_space<hbm>> -> memref<1x50x128xf32, #tpu.memory_space<hbm>>
      %dma_start3A_657 = tpu.memref_squeeze %dma_start3A_656 : memref<1x50x128xf32, #tpu.memory_space<hbm>> -> memref<50x128xf32, #tpu.memory_space<hbm>>
      %dma_start3A_658 = arith.constant 50 : i32
      %dma_start3A_659 = arith.constant 0 : i32
      %dma_start3A_660 = tpu.memref_slice %arg10[%dma_start3A_658, %dma_start3A_659] : memref<200x128xf32, #tpu.memory_space<vmem>> -> memref<50x128xf32, #tpu.memory_space<vmem>>
      tpu.enqueue_dma source(%dma_start3A_660 : memref<50x128xf32, #tpu.memory_space<vmem>>) target(%dma_start3A_657 : memref<50x128xf32, #tpu.memory_space<hbm>>) target_semaphore(%arg16 : memref<!tpu.dma_semaphore, #tpu.memory_space<semaphore_mem>>)
      %mul3A_661 = arith.constant 4 : i32
      %mul3A_662 = arith.muli %add3A_614, %mul3A_661 : i32
      %add3A_663 = arith.addi %mul3A_2, %mul3A_662 : i32
      %add3A_664 = arith.constant 2 : i32
      %add3A_665 = arith.addi %add3A_663, %add3A_664 : i32
      %dma_start3A_666 = arith.constant 100 : i32
      %dma_start3A_667 = arith.constant 0 : i32
      %dma_start3A_668 = tpu.memref_slice %arg10[%dma_start3A_666, %dma_start3A_667] : memref<200x128xf32, #tpu.memory_space<vmem>> -> memref<50x128xf32, #tpu.memory_space<vmem>>
      %dma_start3A_669 = arith.constant 0 : i32
      %dma_start3A_670 = arith.constant 0 : i32
      %dma_start3A_671 = tpu.memref_slice %arg5[%add3A_665, %dma_start3A_669, %dma_start3A_670] : memref<16384x50x128xf32, #tpu.memory_space<hbm>> -> memref<1x50x128xf32, #tpu.memory_space<hbm>>
      %dma_start3A_672 = tpu.memref_squeeze %dma_start3A_671 : memref<1x50x128xf32, #tpu.memory_space<hbm>> -> memref<50x128xf32, #tpu.memory_space<hbm>>
      %dma_start3A_673 = arith.constant 0 : i32
      %dma_start3A_674 = arith.constant 0 : i32
      %dma_start3A_675 = tpu.memref_slice %arg5[%add3A_665, %dma_start3A_673, %dma_start3A_674] : memref<16384x50x128xf32, #tpu.memory_space<hbm>> -> memref<1x50x128xf32, #tpu.memory_space<hbm>>
      %dma_start3A_676 = tpu.memref_squeeze %dma_start3A_675 : memref<1x50x128xf32, #tpu.memory_space<hbm>> -> memref<50x128xf32, #tpu.memory_space<hbm>>
      %dma_start3A_677 = arith.constant 100 : i32
      %dma_start3A_678 = arith.constant 0 : i32
      %dma_start3A_679 = tpu.memref_slice %arg10[%dma_start3A_677, %dma_start3A_678] : memref<200x128xf32, #tpu.memory_space<vmem>> -> memref<50x128xf32, #tpu.memory_space<vmem>>
      tpu.enqueue_dma source(%dma_start3A_679 : memref<50x128xf32, #tpu.memory_space<vmem>>) target(%dma_start3A_676 : memref<50x128xf32, #tpu.memory_space<hbm>>) target_semaphore(%arg16 : memref<!tpu.dma_semaphore, #tpu.memory_space<semaphore_mem>>)
      %mul3A_680 = arith.constant 4 : i32
      %mul3A_681 = arith.muli %add3A_614, %mul3A_680 : i32
      %add3A_682 = arith.addi %mul3A_2, %mul3A_681 : i32
      %add3A_683 = arith.constant 3 : i32
      %add3A_684 = arith.addi %add3A_682, %add3A_683 : i32
      %dma_start3A_685 = arith.constant 150 : i32
      %dma_start3A_686 = arith.constant 0 : i32
      %dma_start3A_687 = tpu.memref_slice %arg10[%dma_start3A_685, %dma_start3A_686] : memref<200x128xf32, #tpu.memory_space<vmem>> -> memref<50x128xf32, #tpu.memory_space<vmem>>
      %dma_start3A_688 = arith.constant 0 : i32
      %dma_start3A_689 = arith.constant 0 : i32
      %dma_start3A_690 = tpu.memref_slice %arg5[%add3A_684, %dma_start3A_688, %dma_start3A_689] : memref<16384x50x128xf32, #tpu.memory_space<hbm>> -> memref<1x50x128xf32, #tpu.memory_space<hbm>>
      %dma_start3A_691 = tpu.memref_squeeze %dma_start3A_690 : memref<1x50x128xf32, #tpu.memory_space<hbm>> -> memref<50x128xf32, #tpu.memory_space<hbm>>
      %dma_start3A_692 = arith.constant 0 : i32
      %dma_start3A_693 = arith.constant 0 : i32
      %dma_start3A_694 = tpu.memref_slice %arg5[%add3A_684, %dma_start3A_692, %dma_start3A_693] : memref<16384x50x128xf32, #tpu.memory_space<hbm>> -> memref<1x50x128xf32, #tpu.memory_space<hbm>>
      %dma_start3A_695 = tpu.memref_squeeze %dma_start3A_694 : memref<1x50x128xf32, #tpu.memory_space<hbm>> -> memref<50x128xf32, #tpu.memory_space<hbm>>
      %dma_start3A_696 = arith.constant 150 : i32
      %dma_start3A_697 = arith.constant 0 : i32
      %dma_start3A_698 = tpu.memref_slice %arg10[%dma_start3A_696, %dma_start3A_697] : memref<200x128xf32, #tpu.memory_space<vmem>> -> memref<50x128xf32, #tpu.memory_space<vmem>>
      tpu.enqueue_dma source(%dma_start3A_698 : memref<50x128xf32, #tpu.memory_space<vmem>>) target(%dma_start3A_695 : memref<50x128xf32, #tpu.memory_space<hbm>>) target_semaphore(%arg16 : memref<!tpu.dma_semaphore, #tpu.memory_space<semaphore_mem>>)
      %add3A_699 = arith.constant 3 : i32
      %add3A_700 = arith.addi %add3A_614, %add3A_699 : i32
      %lt3A_701 = arith.constant 128 : i32
      %lt3A_702 = arith.cmpi slt, %add3A_700, %lt3A_701 : i32
      %convert_element_type3A_703 = arith.extui %lt3A_702 : i1 to i32
      %cond3A_704 = arith.constant 0 : i32
      %cond3A_705 = arith.cmpi ne, %convert_element_type3A_703, %cond3A_704 : i32
      scf.if %cond3A_705 {
        %dma_wait3A_707 = arith.constant 0 : i32
        %dma_wait3A_708 = arith.constant 0 : i32
        %dma_wait3A_709 = tpu.memref_slice %arg6[%arg0, %dma_wait3A_707, %dma_wait3A_708] : memref<2x101024x128xf32, #tpu.memory_space<hbm>> -> memref<1x200x128xf32, #tpu.memory_space<hbm>>
        %dma_wait3A_710 = tpu.memref_squeeze %dma_wait3A_709 : memref<1x200x128xf32, #tpu.memory_space<hbm>> -> memref<200x128xf32, #tpu.memory_space<hbm>>
        %dma_wait3A_711 = arith.constant 0 : i32
        %dma_wait3A_712 = arith.constant 0 : i32
        %dma_wait3A_713 = tpu.memref_slice %arg6[%arg0, %dma_wait3A_711, %dma_wait3A_712] : memref<2x101024x128xf32, #tpu.memory_space<hbm>> -> memref<1x200x128xf32, #tpu.memory_space<hbm>>
        %dma_wait3A_714 = tpu.memref_squeeze %dma_wait3A_713 : memref<1x200x128xf32, #tpu.memory_space<hbm>> -> memref<200x128xf32, #tpu.memory_space<hbm>>
        tpu.wait_dma2 semaphore(%arg16 : memref<!tpu.dma_semaphore, #tpu.memory_space<semaphore_mem>>) src(%arg10 : memref<200x128xf32, #tpu.memory_space<vmem>>) dst(%dma_wait3A_714 : memref<200x128xf32, #tpu.memory_space<hbm>>)
        %add3A_715 = arith.constant 3 : i32
        %add3A_716 = arith.addi %add3A_614, %add3A_715 : i32
        %mul3A_717 = arith.constant 4 : i32
        %mul3A_718 = arith.muli %add3A_716, %mul3A_717 : i32
        %add3A_719 = arith.constant 0 : i32
        %add3A_720 = arith.addi %mul3A_718, %add3A_719 : i32
        %mul3A_721 = arith.constant 56 : i32
        %mul3A_722 = arith.muli %add3A_720, %mul3A_721 : i32
        %dma_start3A_723 = arith.constant 0 : i32
        %dma_start3A_724 = arith.constant 0 : i32
        %dma_start3A_725 = tpu.memref_slice %arg10[%dma_start3A_723, %dma_start3A_724] : memref<200x128xf32, #tpu.memory_space<vmem>> -> memref<50x128xf32, #tpu.memory_space<vmem>>
        %dma_start3A_726 = tpu.memref_slice %arg7[%mul3A_722] : memref<28672xi32, #tpu.memory_space<vmem>> -> memref<50xi32, #tpu.memory_space<vmem>>
        %dma_start3A_727 = arith.constant 0 : i32
        %dma_start3A_728 = arith.constant 0 : i32
        %dma_start3A_729 = tpu.memref_slice %arg6[%arg0, %dma_start3A_727, %dma_start3A_728] : memref<2x101024x128xf32, #tpu.memory_space<hbm>> -> memref<1x101024x128xf32, #tpu.memory_space<hbm>>
        %dma_start3A_730 = tpu.memref_squeeze %dma_start3A_729 : memref<1x101024x128xf32, #tpu.memory_space<hbm>> -> memref<101024x128xf32, #tpu.memory_space<hbm>>
        %dma_start3A_731 = arith.constant 0 : i32
        %dma_start3A_732 = arith.constant 0 : i32
        %dma_start3A_733 = tpu.memref_slice %dma_start3A_730[%dma_start3A_731, %dma_start3A_732] : memref<101024x128xf32, #tpu.memory_space<hbm>> -> memref<101024x128xf32, #tpu.memory_space<hbm>>
        tpu.enqueue_indirect_dma source(%dma_start3A_733 : memref<101024x128xf32, #tpu.memory_space<hbm>>) target(%dma_start3A_725 : memref<50x128xf32, #tpu.memory_space<vmem>>) offsets(%dma_start3A_726 : memref<50xi32, #tpu.memory_space<vmem>>) semaphore(%arg13 : memref<!tpu.dma_semaphore, #tpu.memory_space<semaphore_mem>>)
        %mul3A_734 = arith.constant 4 : i32
        %mul3A_735 = arith.muli %add3A_716, %mul3A_734 : i32
        %add3A_736 = arith.constant 1 : i32
        %add3A_737 = arith.addi %mul3A_735, %add3A_736 : i32
        %mul3A_738 = arith.constant 56 : i32
        %mul3A_739 = arith.muli %add3A_737, %mul3A_738 : i32
        %dma_start3A_740 = arith.constant 50 : i32
        %dma_start3A_741 = arith.constant 0 : i32
        %dma_start3A_742 = tpu.memref_slice %arg10[%dma_start3A_740, %dma_start3A_741] : memref<200x128xf32, #tpu.memory_space<vmem>> -> memref<50x128xf32, #tpu.memory_space<vmem>>
        %dma_start3A_743 = tpu.memref_slice %arg7[%mul3A_739] : memref<28672xi32, #tpu.memory_space<vmem>> -> memref<50xi32, #tpu.memory_space<vmem>>
        %dma_start3A_744 = arith.constant 0 : i32
        %dma_start3A_745 = arith.constant 0 : i32
        %dma_start3A_746 = tpu.memref_slice %arg6[%arg0, %dma_start3A_744, %dma_start3A_745] : memref<2x101024x128xf32, #tpu.memory_space<hbm>> -> memref<1x101024x128xf32, #tpu.memory_space<hbm>>
        %dma_start3A_747 = tpu.memref_squeeze %dma_start3A_746 : memref<1x101024x128xf32, #tpu.memory_space<hbm>> -> memref<101024x128xf32, #tpu.memory_space<hbm>>
        %dma_start3A_748 = arith.constant 0 : i32
        %dma_start3A_749 = arith.constant 0 : i32
        %dma_start3A_750 = tpu.memref_slice %dma_start3A_747[%dma_start3A_748, %dma_start3A_749] : memref<101024x128xf32, #tpu.memory_space<hbm>> -> memref<101024x128xf32, #tpu.memory_space<hbm>>
        tpu.enqueue_indirect_dma source(%dma_start3A_750 : memref<101024x128xf32, #tpu.memory_space<hbm>>) target(%dma_start3A_742 : memref<50x128xf32, #tpu.memory_space<vmem>>) offsets(%dma_start3A_743 : memref<50xi32, #tpu.memory_space<vmem>>) semaphore(%arg13 : memref<!tpu.dma_semaphore, #tpu.memory_space<semaphore_mem>>)
        %mul3A_751 = arith.constant 4 : i32
        %mul3A_752 = arith.muli %add3A_716, %mul3A_751 : i32
        %add3A_753 = arith.constant 2 : i32
        %add3A_754 = arith.addi %mul3A_752, %add3A_753 : i32
        %mul3A_755 = arith.constant 56 : i32
        %mul3A_756 = arith.muli %add3A_754, %mul3A_755 : i32
        %dma_start3A_757 = arith.constant 100 : i32
        %dma_start3A_758 = arith.constant 0 : i32
        %dma_start3A_759 = tpu.memref_slice %arg10[%dma_start3A_757, %dma_start3A_758] : memref<200x128xf32, #tpu.memory_space<vmem>> -> memref<50x128xf32, #tpu.memory_space<vmem>>
        %dma_start3A_760 = tpu.memref_slice %arg7[%mul3A_756] : memref<28672xi32, #tpu.memory_space<vmem>> -> memref<50xi32, #tpu.memory_space<vmem>>
        %dma_start3A_761 = arith.constant 0 : i32
        %dma_start3A_762 = arith.constant 0 : i32
        %dma_start3A_763 = tpu.memref_slice %arg6[%arg0, %dma_start3A_761, %dma_start3A_762] : memref<2x101024x128xf32, #tpu.memory_space<hbm>> -> memref<1x101024x128xf32, #tpu.memory_space<hbm>>
        %dma_start3A_764 = tpu.memref_squeeze %dma_start3A_763 : memref<1x101024x128xf32, #tpu.memory_space<hbm>> -> memref<101024x128xf32, #tpu.memory_space<hbm>>
        %dma_start3A_765 = arith.constant 0 : i32
        %dma_start3A_766 = arith.constant 0 : i32
        %dma_start3A_767 = tpu.memref_slice %dma_start3A_764[%dma_start3A_765, %dma_start3A_766] : memref<101024x128xf32, #tpu.memory_space<hbm>> -> memref<101024x128xf32, #tpu.memory_space<hbm>>
        tpu.enqueue_indirect_dma source(%dma_start3A_767 : memref<101024x128xf32, #tpu.memory_space<hbm>>) target(%dma_start3A_759 : memref<50x128xf32, #tpu.memory_space<vmem>>) offsets(%dma_start3A_760 : memref<50xi32, #tpu.memory_space<vmem>>) semaphore(%arg13 : memref<!tpu.dma_semaphore, #tpu.memory_space<semaphore_mem>>)
        %mul3A_768 = arith.constant 4 : i32
        %mul3A_769 = arith.muli %add3A_716, %mul3A_768 : i32
        %add3A_770 = arith.constant 3 : i32
        %add3A_771 = arith.addi %mul3A_769, %add3A_770 : i32
        %mul3A_772 = arith.constant 56 : i32
        %mul3A_773 = arith.muli %add3A_771, %mul3A_772 : i32
        %dma_start3A_774 = arith.constant 150 : i32
        %dma_start3A_775 = arith.constant 0 : i32
        %dma_start3A_776 = tpu.memref_slice %arg10[%dma_start3A_774, %dma_start3A_775] : memref<200x128xf32, #tpu.memory_space<vmem>> -> memref<50x128xf32, #tpu.memory_space<vmem>>
        %dma_start3A_777 = tpu.memref_slice %arg7[%mul3A_773] : memref<28672xi32, #tpu.memory_space<vmem>> -> memref<50xi32, #tpu.memory_space<vmem>>
        %dma_start3A_778 = arith.constant 0 : i32
        %dma_start3A_779 = arith.constant 0 : i32
        %dma_start3A_780 = tpu.memref_slice %arg6[%arg0, %dma_start3A_778, %dma_start3A_779] : memref<2x101024x128xf32, #tpu.memory_space<hbm>> -> memref<1x101024x128xf32, #tpu.memory_space<hbm>>
        %dma_start3A_781 = tpu.memref_squeeze %dma_start3A_780 : memref<1x101024x128xf32, #tpu.memory_space<hbm>> -> memref<101024x128xf32, #tpu.memory_space<hbm>>
        %dma_start3A_782 = arith.constant 0 : i32
        %dma_start3A_783 = arith.constant 0 : i32
        %dma_start3A_784 = tpu.memref_slice %dma_start3A_781[%dma_start3A_782, %dma_start3A_783] : memref<101024x128xf32, #tpu.memory_space<hbm>> -> memref<101024x128xf32, #tpu.memory_space<hbm>>
        tpu.enqueue_indirect_dma source(%dma_start3A_784 : memref<101024x128xf32, #tpu.memory_space<hbm>>) target(%dma_start3A_776 : memref<50x128xf32, #tpu.memory_space<vmem>>) offsets(%dma_start3A_777 : memref<50xi32, #tpu.memory_space<vmem>>) semaphore(%arg13 : memref<!tpu.dma_semaphore, #tpu.memory_space<semaphore_mem>>)
      } else {
      }
      %scan3A_706 = arith.constant 0 : i32
      scf.yield %scan3A_706 : i32
    }
    %scan3A_234 = arith.constant 42 : i32
    %dma_wait3A_235 = arith.constant 0 : i32
    %dma_wait3A_236 = arith.constant 0 : i32
    %dma_wait3A_237 = tpu.memref_slice %arg6[%arg0, %dma_wait3A_235, %dma_wait3A_236] : memref<2x101024x128xf32, #tpu.memory_space<hbm>> -> memref<1x200x128xf32, #tpu.memory_space<hbm>>
    %dma_wait3A_238 = tpu.memref_squeeze %dma_wait3A_237 : memref<1x200x128xf32, #tpu.memory_space<hbm>> -> memref<200x128xf32, #tpu.memory_space<hbm>>
    %dma_wait3A_239 = arith.constant 0 : i32
    %dma_wait3A_240 = arith.constant 0 : i32
    %dma_wait3A_241 = tpu.memref_slice %arg6[%arg0, %dma_wait3A_239, %dma_wait3A_240] : memref<2x101024x128xf32, #tpu.memory_space<hbm>> -> memref<1x200x128xf32, #tpu.memory_space<hbm>>
    %dma_wait3A_242 = tpu.memref_squeeze %dma_wait3A_241 : memref<1x200x128xf32, #tpu.memory_space<hbm>> -> memref<200x128xf32, #tpu.memory_space<hbm>>
    tpu.wait_dma2 semaphore(%arg11 : memref<!tpu.dma_semaphore, #tpu.memory_space<semaphore_mem>>) src(%dma_wait3A_242 : memref<200x128xf32, #tpu.memory_space<hbm>>) dst(%arg8 : memref<200x128xf32, #tpu.memory_space<vmem>>)
    %add3A_243 = arith.constant 504 : i32
    %add3A_244 = arith.addi %mul3A_2, %add3A_243 : i32
    %add3A_245 = arith.constant 0 : i32
    %add3A_246 = arith.addi %add3A_244, %add3A_245 : i32
    %dma_start3A_247 = arith.constant 0 : i32
    %dma_start3A_248 = arith.constant 0 : i32
    %dma_start3A_249 = tpu.memref_slice %arg8[%dma_start3A_247, %dma_start3A_248] : memref<200x128xf32, #tpu.memory_space<vmem>> -> memref<50x128xf32, #tpu.memory_space<vmem>>
    %dma_start3A_250 = arith.constant 0 : i32
    %dma_start3A_251 = arith.constant 0 : i32
    %dma_start3A_252 = tpu.memref_slice %arg5[%add3A_246, %dma_start3A_250, %dma_start3A_251] : memref<16384x50x128xf32, #tpu.memory_space<hbm>> -> memref<1x50x128xf32, #tpu.memory_space<hbm>>
    %dma_start3A_253 = tpu.memref_squeeze %dma_start3A_252 : memref<1x50x128xf32, #tpu.memory_space<hbm>> -> memref<50x128xf32, #tpu.memory_space<hbm>>
    %dma_start3A_254 = arith.constant 0 : i32
    %dma_start3A_255 = arith.constant 0 : i32
    %dma_start3A_256 = tpu.memref_slice %arg5[%add3A_246, %dma_start3A_254, %dma_start3A_255] : memref<16384x50x128xf32, #tpu.memory_space<hbm>> -> memref<1x50x128xf32, #tpu.memory_space<hbm>>
    %dma_start3A_257 = tpu.memref_squeeze %dma_start3A_256 : memref<1x50x128xf32, #tpu.memory_space<hbm>> -> memref<50x128xf32, #tpu.memory_space<hbm>>
    %dma_start3A_258 = arith.constant 0 : i32
    %dma_start3A_259 = arith.constant 0 : i32
    %dma_start3A_260 = tpu.memref_slice %arg8[%dma_start3A_258, %dma_start3A_259] : memref<200x128xf32, #tpu.memory_space<vmem>> -> memref<50x128xf32, #tpu.memory_space<vmem>>
    tpu.enqueue_dma source(%dma_start3A_260 : memref<50x128xf32, #tpu.memory_space<vmem>>) target(%dma_start3A_257 : memref<50x128xf32, #tpu.memory_space<hbm>>) target_semaphore(%arg14 : memref<!tpu.dma_semaphore, #tpu.memory_space<semaphore_mem>>)
    %add3A_261 = arith.constant 504 : i32
    %add3A_262 = arith.addi %mul3A_2, %add3A_261 : i32
    %add3A_263 = arith.constant 1 : i32
    %add3A_264 = arith.addi %add3A_262, %add3A_263 : i32
    %dma_start3A_265 = arith.constant 50 : i32
    %dma_start3A_266 = arith.constant 0 : i32
    %dma_start3A_267 = tpu.memref_slice %arg8[%dma_start3A_265, %dma_start3A_266] : memref<200x128xf32, #tpu.memory_space<vmem>> -> memref<50x128xf32, #tpu.memory_space<vmem>>
    %dma_start3A_268 = arith.constant 0 : i32
    %dma_start3A_269 = arith.constant 0 : i32
    %dma_start3A_270 = tpu.memref_slice %arg5[%add3A_264, %dma_start3A_268, %dma_start3A_269] : memref<16384x50x128xf32, #tpu.memory_space<hbm>> -> memref<1x50x128xf32, #tpu.memory_space<hbm>>
    %dma_start3A_271 = tpu.memref_squeeze %dma_start3A_270 : memref<1x50x128xf32, #tpu.memory_space<hbm>> -> memref<50x128xf32, #tpu.memory_space<hbm>>
    %dma_start3A_272 = arith.constant 0 : i32
    %dma_start3A_273 = arith.constant 0 : i32
    %dma_start3A_274 = tpu.memref_slice %arg5[%add3A_264, %dma_start3A_272, %dma_start3A_273] : memref<16384x50x128xf32, #tpu.memory_space<hbm>> -> memref<1x50x128xf32, #tpu.memory_space<hbm>>
    %dma_start3A_275 = tpu.memref_squeeze %dma_start3A_274 : memref<1x50x128xf32, #tpu.memory_space<hbm>> -> memref<50x128xf32, #tpu.memory_space<hbm>>
    %dma_start3A_276 = arith.constant 50 : i32
    %dma_start3A_277 = arith.constant 0 : i32
    %dma_start3A_278 = tpu.memref_slice %arg8[%dma_start3A_276, %dma_start3A_277] : memref<200x128xf32, #tpu.memory_space<vmem>> -> memref<50x128xf32, #tpu.memory_space<vmem>>
    tpu.enqueue_dma source(%dma_start3A_278 : memref<50x128xf32, #tpu.memory_space<vmem>>) target(%dma_start3A_275 : memref<50x128xf32, #tpu.memory_space<hbm>>) target_semaphore(%arg14 : memref<!tpu.dma_semaphore, #tpu.memory_space<semaphore_mem>>)
    %add3A_279 = arith.constant 504 : i32
    %add3A_280 = arith.addi %mul3A_2, %add3A_279 : i32
    %add3A_281 = arith.constant 2 : i32
    %add3A_282 = arith.addi %add3A_280, %add3A_281 : i32
    %dma_start3A_283 = arith.constant 100 : i32
    %dma_start3A_284 = arith.constant 0 : i32
    %dma_start3A_285 = tpu.memref_slice %arg8[%dma_start3A_283, %dma_start3A_284] : memref<200x128xf32, #tpu.memory_space<vmem>> -> memref<50x128xf32, #tpu.memory_space<vmem>>
    %dma_start3A_286 = arith.constant 0 : i32
    %dma_start3A_287 = arith.constant 0 : i32
    %dma_start3A_288 = tpu.memref_slice %arg5[%add3A_282, %dma_start3A_286, %dma_start3A_287] : memref<16384x50x128xf32, #tpu.memory_space<hbm>> -> memref<1x50x128xf32, #tpu.memory_space<hbm>>
    %dma_start3A_289 = tpu.memref_squeeze %dma_start3A_288 : memref<1x50x128xf32, #tpu.memory_space<hbm>> -> memref<50x128xf32, #tpu.memory_space<hbm>>
    %dma_start3A_290 = arith.constant 0 : i32
    %dma_start3A_291 = arith.constant 0 : i32
    %dma_start3A_292 = tpu.memref_slice %arg5[%add3A_282, %dma_start3A_290, %dma_start3A_291] : memref<16384x50x128xf32, #tpu.memory_space<hbm>> -> memref<1x50x128xf32, #tpu.memory_space<hbm>>
    %dma_start3A_293 = tpu.memref_squeeze %dma_start3A_292 : memref<1x50x128xf32, #tpu.memory_space<hbm>> -> memref<50x128xf32, #tpu.memory_space<hbm>>
    %dma_start3A_294 = arith.constant 100 : i32
    %dma_start3A_295 = arith.constant 0 : i32
    %dma_start3A_296 = tpu.memref_slice %arg8[%dma_start3A_294, %dma_start3A_295] : memref<200x128xf32, #tpu.memory_space<vmem>> -> memref<50x128xf32, #tpu.memory_space<vmem>>
    tpu.enqueue_dma source(%dma_start3A_296 : memref<50x128xf32, #tpu.memory_space<vmem>>) target(%dma_start3A_293 : memref<50x128xf32, #tpu.memory_space<hbm>>) target_semaphore(%arg14 : memref<!tpu.dma_semaphore, #tpu.memory_space<semaphore_mem>>)
    %add3A_297 = arith.constant 504 : i32
    %add3A_298 = arith.addi %mul3A_2, %add3A_297 : i32
    %add3A_299 = arith.constant 3 : i32
    %add3A_300 = arith.addi %add3A_298, %add3A_299 : i32
    %dma_start3A_301 = arith.constant 150 : i32
    %dma_start3A_302 = arith.constant 0 : i32
    %dma_start3A_303 = tpu.memref_slice %arg8[%dma_start3A_301, %dma_start3A_302] : memref<200x128xf32, #tpu.memory_space<vmem>> -> memref<50x128xf32, #tpu.memory_space<vmem>>
    %dma_start3A_304 = arith.constant 0 : i32
    %dma_start3A_305 = arith.constant 0 : i32
    %dma_start3A_306 = tpu.memref_slice %arg5[%add3A_300, %dma_start3A_304, %dma_start3A_305] : memref<16384x50x128xf32, #tpu.memory_space<hbm>> -> memref<1x50x128xf32, #tpu.memory_space<hbm>>
    %dma_start3A_307 = tpu.memref_squeeze %dma_start3A_306 : memref<1x50x128xf32, #tpu.memory_space<hbm>> -> memref<50x128xf32, #tpu.memory_space<hbm>>
    %dma_start3A_308 = arith.constant 0 : i32
    %dma_start3A_309 = arith.constant 0 : i32
    %dma_start3A_310 = tpu.memref_slice %arg5[%add3A_300, %dma_start3A_308, %dma_start3A_309] : memref<16384x50x128xf32, #tpu.memory_space<hbm>> -> memref<1x50x128xf32, #tpu.memory_space<hbm>>
    %dma_start3A_311 = tpu.memref_squeeze %dma_start3A_310 : memref<1x50x128xf32, #tpu.memory_space<hbm>> -> memref<50x128xf32, #tpu.memory_space<hbm>>
    %dma_start3A_312 = arith.constant 150 : i32
    %dma_start3A_313 = arith.constant 0 : i32
    %dma_start3A_314 = tpu.memref_slice %arg8[%dma_start3A_312, %dma_start3A_313] : memref<200x128xf32, #tpu.memory_space<vmem>> -> memref<50x128xf32, #tpu.memory_space<vmem>>
    tpu.enqueue_dma source(%dma_start3A_314 : memref<50x128xf32, #tpu.memory_space<vmem>>) target(%dma_start3A_311 : memref<50x128xf32, #tpu.memory_space<hbm>>) target_semaphore(%arg14 : memref<!tpu.dma_semaphore, #tpu.memory_space<semaphore_mem>>)
    %dma_wait3A_315 = arith.constant 0 : i32
    %dma_wait3A_316 = arith.constant 0 : i32
    %dma_wait3A_317 = tpu.memref_slice %arg6[%arg0, %dma_wait3A_315, %dma_wait3A_316] : memref<2x101024x128xf32, #tpu.memory_space<hbm>> -> memref<1x200x128xf32, #tpu.memory_space<hbm>>
    %dma_wait3A_318 = tpu.memref_squeeze %dma_wait3A_317 : memref<1x200x128xf32, #tpu.memory_space<hbm>> -> memref<200x128xf32, #tpu.memory_space<hbm>>
    %dma_wait3A_319 = arith.constant 0 : i32
    %dma_wait3A_320 = arith.constant 0 : i32
    %dma_wait3A_321 = tpu.memref_slice %arg6[%arg0, %dma_wait3A_319, %dma_wait3A_320] : memref<2x101024x128xf32, #tpu.memory_space<hbm>> -> memref<1x200x128xf32, #tpu.memory_space<hbm>>
    %dma_wait3A_322 = tpu.memref_squeeze %dma_wait3A_321 : memref<1x200x128xf32, #tpu.memory_space<hbm>> -> memref<200x128xf32, #tpu.memory_space<hbm>>
    tpu.wait_dma2 semaphore(%arg12 : memref<!tpu.dma_semaphore, #tpu.memory_space<semaphore_mem>>) src(%dma_wait3A_322 : memref<200x128xf32, #tpu.memory_space<hbm>>) dst(%arg9 : memref<200x128xf32, #tpu.memory_space<vmem>>)
    %add3A_323 = arith.constant 508 : i32
    %add3A_324 = arith.addi %mul3A_2, %add3A_323 : i32
    %add3A_325 = arith.constant 0 : i32
    %add3A_326 = arith.addi %add3A_324, %add3A_325 : i32
    %dma_start3A_327 = arith.constant 0 : i32
    %dma_start3A_328 = arith.constant 0 : i32
    %dma_start3A_329 = tpu.memref_slice %arg9[%dma_start3A_327, %dma_start3A_328] : memref<200x128xf32, #tpu.memory_space<vmem>> -> memref<50x128xf32, #tpu.memory_space<vmem>>
    %dma_start3A_330 = arith.constant 0 : i32
    %dma_start3A_331 = arith.constant 0 : i32
    %dma_start3A_332 = tpu.memref_slice %arg5[%add3A_326, %dma_start3A_330, %dma_start3A_331] : memref<16384x50x128xf32, #tpu.memory_space<hbm>> -> memref<1x50x128xf32, #tpu.memory_space<hbm>>
    %dma_start3A_333 = tpu.memref_squeeze %dma_start3A_332 : memref<1x50x128xf32, #tpu.memory_space<hbm>> -> memref<50x128xf32, #tpu.memory_space<hbm>>
    %dma_start3A_334 = arith.constant 0 : i32
    %dma_start3A_335 = arith.constant 0 : i32
    %dma_start3A_336 = tpu.memref_slice %arg5[%add3A_326, %dma_start3A_334, %dma_start3A_335] : memref<16384x50x128xf32, #tpu.memory_space<hbm>> -> memref<1x50x128xf32, #tpu.memory_space<hbm>>
    %dma_start3A_337 = tpu.memref_squeeze %dma_start3A_336 : memref<1x50x128xf32, #tpu.memory_space<hbm>> -> memref<50x128xf32, #tpu.memory_space<hbm>>
    %dma_start3A_338 = arith.constant 0 : i32
    %dma_start3A_339 = arith.constant 0 : i32
    %dma_start3A_340 = tpu.memref_slice %arg9[%dma_start3A_338, %dma_start3A_339] : memref<200x128xf32, #tpu.memory_space<vmem>> -> memref<50x128xf32, #tpu.memory_space<vmem>>
    tpu.enqueue_dma source(%dma_start3A_340 : memref<50x128xf32, #tpu.memory_space<vmem>>) target(%dma_start3A_337 : memref<50x128xf32, #tpu.memory_space<hbm>>) target_semaphore(%arg15 : memref<!tpu.dma_semaphore, #tpu.memory_space<semaphore_mem>>)
    %add3A_341 = arith.constant 508 : i32
    %add3A_342 = arith.addi %mul3A_2, %add3A_341 : i32
    %add3A_343 = arith.constant 1 : i32
    %add3A_344 = arith.addi %add3A_342, %add3A_343 : i32
    %dma_start3A_345 = arith.constant 50 : i32
    %dma_start3A_346 = arith.constant 0 : i32
    %dma_start3A_347 = tpu.memref_slice %arg9[%dma_start3A_345, %dma_start3A_346] : memref<200x128xf32, #tpu.memory_space<vmem>> -> memref<50x128xf32, #tpu.memory_space<vmem>>
    %dma_start3A_348 = arith.constant 0 : i32
    %dma_start3A_349 = arith.constant 0 : i32
    %dma_start3A_350 = tpu.memref_slice %arg5[%add3A_344, %dma_start3A_348, %dma_start3A_349] : memref<16384x50x128xf32, #tpu.memory_space<hbm>> -> memref<1x50x128xf32, #tpu.memory_space<hbm>>
    %dma_start3A_351 = tpu.memref_squeeze %dma_start3A_350 : memref<1x50x128xf32, #tpu.memory_space<hbm>> -> memref<50x128xf32, #tpu.memory_space<hbm>>
    %dma_start3A_352 = arith.constant 0 : i32
    %dma_start3A_353 = arith.constant 0 : i32
    %dma_start3A_354 = tpu.memref_slice %arg5[%add3A_344, %dma_start3A_352, %dma_start3A_353] : memref<16384x50x128xf32, #tpu.memory_space<hbm>> -> memref<1x50x128xf32, #tpu.memory_space<hbm>>
    %dma_start3A_355 = tpu.memref_squeeze %dma_start3A_354 : memref<1x50x128xf32, #tpu.memory_space<hbm>> -> memref<50x128xf32, #tpu.memory_space<hbm>>
    %dma_start3A_356 = arith.constant 50 : i32
    %dma_start3A_357 = arith.constant 0 : i32
    %dma_start3A_358 = tpu.memref_slice %arg9[%dma_start3A_356, %dma_start3A_357] : memref<200x128xf32, #tpu.memory_space<vmem>> -> memref<50x128xf32, #tpu.memory_space<vmem>>
    tpu.enqueue_dma source(%dma_start3A_358 : memref<50x128xf32, #tpu.memory_space<vmem>>) target(%dma_start3A_355 : memref<50x128xf32, #tpu.memory_space<hbm>>) target_semaphore(%arg15 : memref<!tpu.dma_semaphore, #tpu.memory_space<semaphore_mem>>)
    %add3A_359 = arith.constant 508 : i32
    %add3A_360 = arith.addi %mul3A_2, %add3A_359 : i32
    %add3A_361 = arith.constant 2 : i32
    %add3A_362 = arith.addi %add3A_360, %add3A_361 : i32
    %dma_start3A_363 = arith.constant 100 : i32
    %dma_start3A_364 = arith.constant 0 : i32
    %dma_start3A_365 = tpu.memref_slice %arg9[%dma_start3A_363, %dma_start3A_364] : memref<200x128xf32, #tpu.memory_space<vmem>> -> memref<50x128xf32, #tpu.memory_space<vmem>>
    %dma_start3A_366 = arith.constant 0 : i32
    %dma_start3A_367 = arith.constant 0 : i32
    %dma_start3A_368 = tpu.memref_slice %arg5[%add3A_362, %dma_start3A_366, %dma_start3A_367] : memref<16384x50x128xf32, #tpu.memory_space<hbm>> -> memref<1x50x128xf32, #tpu.memory_space<hbm>>
    %dma_start3A_369 = tpu.memref_squeeze %dma_start3A_368 : memref<1x50x128xf32, #tpu.memory_space<hbm>> -> memref<50x128xf32, #tpu.memory_space<hbm>>
    %dma_start3A_370 = arith.constant 0 : i32
    %dma_start3A_371 = arith.constant 0 : i32
    %dma_start3A_372 = tpu.memref_slice %arg5[%add3A_362, %dma_start3A_370, %dma_start3A_371] : memref<16384x50x128xf32, #tpu.memory_space<hbm>> -> memref<1x50x128xf32, #tpu.memory_space<hbm>>
    %dma_start3A_373 = tpu.memref_squeeze %dma_start3A_372 : memref<1x50x128xf32, #tpu.memory_space<hbm>> -> memref<50x128xf32, #tpu.memory_space<hbm>>
    %dma_start3A_374 = arith.constant 100 : i32
    %dma_start3A_375 = arith.constant 0 : i32
    %dma_start3A_376 = tpu.memref_slice %arg9[%dma_start3A_374, %dma_start3A_375] : memref<200x128xf32, #tpu.memory_space<vmem>> -> memref<50x128xf32, #tpu.memory_space<vmem>>
    tpu.enqueue_dma source(%dma_start3A_376 : memref<50x128xf32, #tpu.memory_space<vmem>>) target(%dma_start3A_373 : memref<50x128xf32, #tpu.memory_space<hbm>>) target_semaphore(%arg15 : memref<!tpu.dma_semaphore, #tpu.memory_space<semaphore_mem>>)
    %add3A_377 = arith.constant 508 : i32
    %add3A_378 = arith.addi %mul3A_2, %add3A_377 : i32
    %add3A_379 = arith.constant 3 : i32
    %add3A_380 = arith.addi %add3A_378, %add3A_379 : i32
    %dma_start3A_381 = arith.constant 150 : i32
    %dma_start3A_382 = arith.constant 0 : i32
    %dma_start3A_383 = tpu.memref_slice %arg9[%dma_start3A_381, %dma_start3A_382] : memref<200x128xf32, #tpu.memory_space<vmem>> -> memref<50x128xf32, #tpu.memory_space<vmem>>
    %dma_start3A_384 = arith.constant 0 : i32
    %dma_start3A_385 = arith.constant 0 : i32
    %dma_start3A_386 = tpu.memref_slice %arg5[%add3A_380, %dma_start3A_384, %dma_start3A_385] : memref<16384x50x128xf32, #tpu.memory_space<hbm>> -> memref<1x50x128xf32, #tpu.memory_space<hbm>>
    %dma_start3A_387 = tpu.memref_squeeze %dma_start3A_386 : memref<1x50x128xf32, #tpu.memory_space<hbm>> -> memref<50x128xf32, #tpu.memory_space<hbm>>
    %dma_start3A_388 = arith.constant 0 : i32
    %dma_start3A_389 = arith.constant 0 : i32
    %dma_start3A_390 = tpu.memref_slice %arg5[%add3A_380, %dma_start3A_388, %dma_start3A_389] : memref<16384x50x128xf32, #tpu.memory_space<hbm>> -> memref<1x50x128xf32, #tpu.memory_space<hbm>>
    %dma_start3A_391 = tpu.memref_squeeze %dma_start3A_390 : memref<1x50x128xf32, #tpu.memory_space<hbm>> -> memref<50x128xf32, #tpu.memory_space<hbm>>
    %dma_start3A_392 = arith.constant 150 : i32
    %dma_start3A_393 = arith.constant 0 : i32
    %dma_start3A_394 = tpu.memref_slice %arg9[%dma_start3A_392, %dma_start3A_393] : memref<200x128xf32, #tpu.memory_space<vmem>> -> memref<50x128xf32, #tpu.memory_space<vmem>>
    tpu.enqueue_dma source(%dma_start3A_394 : memref<50x128xf32, #tpu.memory_space<vmem>>) target(%dma_start3A_391 : memref<50x128xf32, #tpu.memory_space<hbm>>) target_semaphore(%arg15 : memref<!tpu.dma_semaphore, #tpu.memory_space<semaphore_mem>>)
    %dma_wait3A_395 = arith.constant 0 : i32
    %dma_wait3A_396 = arith.constant 0 : i32
    %dma_wait3A_397 = tpu.memref_slice %arg6[%arg0, %dma_wait3A_395, %dma_wait3A_396] : memref<2x101024x128xf32, #tpu.memory_space<hbm>> -> memref<1x200x128xf32, #tpu.memory_space<hbm>>
    %dma_wait3A_398 = tpu.memref_squeeze %dma_wait3A_397 : memref<1x200x128xf32, #tpu.memory_space<hbm>> -> memref<200x128xf32, #tpu.memory_space<hbm>>
    %dma_wait3A_399 = arith.constant 0 : i32
    %dma_wait3A_400 = arith.constant 0 : i32
    %dma_wait3A_401 = tpu.memref_slice %arg6[%arg0, %dma_wait3A_399, %dma_wait3A_400] : memref<2x101024x128xf32, #tpu.memory_space<hbm>> -> memref<1x200x128xf32, #tpu.memory_space<hbm>>
    %dma_wait3A_402 = tpu.memref_squeeze %dma_wait3A_401 : memref<1x200x128xf32, #tpu.memory_space<hbm>> -> memref<200x128xf32, #tpu.memory_space<hbm>>
    tpu.wait_dma2 semaphore(%arg14 : memref<!tpu.dma_semaphore, #tpu.memory_space<semaphore_mem>>) src(%arg8 : memref<200x128xf32, #tpu.memory_space<vmem>>) dst(%dma_wait3A_402 : memref<200x128xf32, #tpu.memory_space<hbm>>)
    %dma_wait3A_403 = arith.constant 0 : i32
    %dma_wait3A_404 = arith.constant 0 : i32
    %dma_wait3A_405 = tpu.memref_slice %arg6[%arg0, %dma_wait3A_403, %dma_wait3A_404] : memref<2x101024x128xf32, #tpu.memory_space<hbm>> -> memref<1x200x128xf32, #tpu.memory_space<hbm>>
    %dma_wait3A_406 = tpu.memref_squeeze %dma_wait3A_405 : memref<1x200x128xf32, #tpu.memory_space<hbm>> -> memref<200x128xf32, #tpu.memory_space<hbm>>
    %dma_wait3A_407 = arith.constant 0 : i32
    %dma_wait3A_408 = arith.constant 0 : i32
    %dma_wait3A_409 = tpu.memref_slice %arg6[%arg0, %dma_wait3A_407, %dma_wait3A_408] : memref<2x101024x128xf32, #tpu.memory_space<hbm>> -> memref<1x200x128xf32, #tpu.memory_space<hbm>>
    %dma_wait3A_410 = tpu.memref_squeeze %dma_wait3A_409 : memref<1x200x128xf32, #tpu.memory_space<hbm>> -> memref<200x128xf32, #tpu.memory_space<hbm>>
    tpu.wait_dma2 semaphore(%arg15 : memref<!tpu.dma_semaphore, #tpu.memory_space<semaphore_mem>>) src(%arg9 : memref<200x128xf32, #tpu.memory_space<vmem>>) dst(%dma_wait3A_410 : memref<200x128xf32, #tpu.memory_space<hbm>>)
    %dma_wait3A_411 = arith.constant 0 : i32
    %dma_wait3A_412 = arith.constant 0 : i32
    %dma_wait3A_413 = tpu.memref_slice %arg6[%arg0, %dma_wait3A_411, %dma_wait3A_412] : memref<2x101024x128xf32, #tpu.memory_space<hbm>> -> memref<1x200x128xf32, #tpu.memory_space<hbm>>
    %dma_wait3A_414 = tpu.memref_squeeze %dma_wait3A_413 : memref<1x200x128xf32, #tpu.memory_space<hbm>> -> memref<200x128xf32, #tpu.memory_space<hbm>>
    %dma_wait3A_415 = arith.constant 0 : i32
    %dma_wait3A_416 = arith.constant 0 : i32
    %dma_wait3A_417 = tpu.memref_slice %arg6[%arg0, %dma_wait3A_415, %dma_wait3A_416] : memref<2x101024x128xf32, #tpu.memory_space<hbm>> -> memref<1x200x128xf32, #tpu.memory_space<hbm>>
    %dma_wait3A_418 = tpu.memref_squeeze %dma_wait3A_417 : memref<1x200x128xf32, #tpu.memory_space<hbm>> -> memref<200x128xf32, #tpu.memory_space<hbm>>
    tpu.wait_dma2 semaphore(%arg16 : memref<!tpu.dma_semaphore, #tpu.memory_space<semaphore_mem>>) src(%arg10 : memref<200x128xf32, #tpu.memory_space<vmem>>) dst(%dma_wait3A_418 : memref<200x128xf32, #tpu.memory_space<hbm>>)
    return
  }
}

</mosaic_0001>

<sc_bundles>
// kernel: kernel.3.cloned.1.call-start
scs
__scs_entry_jumppad:
0x0: {  	(pc) =	sbr.rel $0x88, $3  }
0x1: {  	(tag) =	ssettag $0x0;
	lr =	simm.s32 $0x1  }
0x2: {  	[smem:$0x3F9E] =	sst lr;
	_ =	strace $0xD0000000  }
0x3: {  	_ = 	snop  }
0x4: {  	_ = 	snop  }
0x5: {  	_ = 	snop  }
0x6: {  	_ = 	snop  }
0x7: {  	_ = 	snop  }
__scs_overlays_trampoline_lowered:
0x8: {  	[smem:$0x3FAD] =	sst s0  }
0x9: {  	[smem:$0x3FAE] =	sst s1  }
0xa: {  	[smem:$0x3FAF] =	sst s2  }
0xb: {  	[smem:$0x3FB0] =	sst s3  }
0xc: {  	[smem:$0x3FB1] =	sst s4  }
0xd: {  	[smem:$0x3FB2] =	sst s5  }
0xe: {  	[smem:$0x3FB3] =	sst s6  }
0xf: {  	[smem:$0x3FB4] =	sst s7  }
0x10: {  	[smem:$0x3FB5] =	sst s8  }
0x11: {  	[smem:$0x3FB6] =	sst s9;
	s0 =	simm.s32 @!p0 $0x0  }
0x12: {  	s1 =	sld [smem:$0x3F9C];
	s0 =	simm.s32 @p0 $0x1  }
0x13: {  	[smem:$0x3FB7] =	sst s0;
	s0 =	simm.s32 @!p1 $0x0  }
0x14: {  	s2 =	sld [smem:$0x3F9B];
	s0 =	simm.s32 @p1 $0x1  }
0x15: {  	[smem:$0x3FB8] =	sst s0;
	s0 =	simm.s32 @!p2 $0x0  }
0x16: {  	s3 =	sld [smem:$0x3FDB];
	s0 =	simm.s32 @p2 $0x1  }
0x17: {  	s4 =	simm.s32 $0x1BF5;
	[smem:$0x3FBA] =	sst s0  }
0x18: {  	s0 =	sld [smem:$0x3F9D];
	_ =	swait.ge [sflag:s4], $0x0  }
0x19: {  	s7 =	sld [smem:$0x3F9E]  }
0x1a: {  	s8 =	sadd.s32 $0xFFFFE003, lr  }
0x1b: {  	s9 =	sadd.s32 $0xFFFFFEF7, lr;
	s5 =	simm.s32 $0xFFFFFFFF;
	p2 =	slt.u32 s8, $0xFFFFF086  }
0x1c: {  	p1 =	slt.u32 s9, $0xF7A;
	s5 =	simm.s32 @!p2 $0x0  }
0x1d: {  	s5 =	simm.s32 @p1 $0x1;
	p0 =	seq.s32 s7, s2  }
0x1e: {  	s7 =	smul.u32 @!p0 $0xF7A, s2;
	p2 =	seq.s32 @!p0 s5, $0x0  }
0x1f: {  	s9 =	smul.u32 $0xF7A, s1;
	s8 =	simm.s32 @!p0 $0x1BF5;
	p2 =	por !p2, p0  }
0x20: {  	[sflag:s8] =	ssyncset.s32 @!p0 $0xFFFFF086;
	s6 =	sadd.s32 @!p0 s3, s7;
	s7 =	simm.s32 @!p0 $0x108  }
0x21: {  	s3 =	sadd.s32 s3, s9;
	s6 =	sadd.s32 @!p0 $0x88, s6;
	s7 =	simm.s32 @p2 $0x1082  }
0x22: {  	[simem:s7], [sflag:s8] =	dma.local @!p0 [hbm:s6], $0xF7A  }
0x23: {  	s9 =	sor.u32 $0xD0000000, s2;
	s6 =	simm.s32 $0x108;
	_ =	swait.ge @!p0 [sflag:s8], $0x0  }
0x24: {  	s3 =	sadd.s32 $0x88, s3;
	s6 =	simm.s32 @!p1 $0x1082;
	[sflag:s4] =	ssyncset.s32 $0xFFFFF086  }
0x25: {  	[simem:s6], [sflag:s4] =	dma.local [hbm:s3], $0xF7A  }
0x26: {  	[smem:$0x3F9E] =	sst s1;
	(tag) =	ssettag s2;
	_ =	strace s9  }
0x27: {  	s1 =	sld [smem:$0x3FAE]  }
0x28: {  	s2 =	sld [smem:$0x3FAF]  }
0x29: {  	s4 =	sld [smem:$0x3FB1]  }
0x2a: {  	p0 =	seq.s32 s5, $0x0;
	s5 =	sld [smem:$0x3FB2]  }
0x2b: {  	s6 =	sld [smem:$0x3FB3]  }
0x2c: {  	s7 =	sld [smem:$0x3FB4]  }
0x2d: {  	s3 =	simm.s32 $0x108;
	s8 =	sld [smem:$0x3FB5]  }
0x2e: {  	s3 =	simm.s32 @!p0 $0x1082;
	s9 =	sld [smem:$0x3FB6]  }
0x2f: {  	lr =	sadd.s32 s0, s3;
	s0 =	sld [smem:$0x3FAD]  }
0x30: {  	s3 =	sld [smem:$0x3FB0]  }
0x31: {  	[smem:$0x3FB9] =	sst s10  }
0x32: {  	s10 =	sld [smem:$0x3FB7];
	_ =	sdelay $0x3  }
0x33: {  	p0 =	seq.s32 s10, $0x1;
	s10 =	sld [smem:$0x3FB9];
	_ =	sdelay $0x3  }
0x34: {  	[smem:$0x3FB9] =	sst s10  }
0x35: {  	s10 =	sld [smem:$0x3FB8];
	_ =	sdelay $0x3  }
0x36: {  	p1 =	seq.s32 s10, $0x1;
	s10 =	sld [smem:$0x3FB9];
	_ =	sdelay $0x3  }
0x37: {  	[smem:$0x3FB9] =	sst s10  }
0x38: {  	s10 =	sld [smem:$0x3FBA]  }
0x39: {  	_ = 	snop;
	(pc) =	sbr.ind lr, $3  }
0x3a: {  	_ = 	snop  }
0x3b: {  	_ = 	snop  }
0x3c: {  	p2 =	seq.s32 s10, $0x1;
	s10 =	sld [smem:$0x3FB9]  }
0x3d: {  	_ =	shalt  }
0x3e: {  	_ =	shalt  }
0x3f: {  	_ =	shalt  }
0x40: {  	_ =	shalt  }
0x41: {  	_ =	shalt  }
0x42: {  	_ =	shalt  }
0x43: {  	_ =	shalt  }
0x44: {  	_ =	shalt  }
0x45: {  	_ =	shalt  }
0x46: {  	_ =	shalt  }
0x47: {  	_ =	shalt  }
0x48: {  	_ =	shalt  }
0x49: {  	_ =	shalt  }
0x4a: {  	_ =	shalt  }
0x4b: {  	_ =	shalt  }
0x4c: {  	_ =	shalt  }
0x4d: {  	_ =	shalt  }
0x4e: {  	_ =	shalt  }
0x4f: {  	_ =	shalt  }
0x50: {  	_ =	shalt  }
0x51: {  	_ =	shalt  }
0x52: {  	_ =	shalt  }
0x53: {  	_ =	shalt  }
0x54: {  	_ =	shalt  }
0x55: {  	_ =	shalt  }
0x56: {  	_ =	shalt  }
0x57: {  	_ =	shalt  }
0x58: {  	_ =	shalt  }
0x59: {  	_ =	shalt  }
0x5a: {  	_ =	shalt  }
0x5b: {  	_ =	shalt  }
0x5c: {  	_ =	shalt  }
0x5d: {  	_ =	shalt  }
0x5e: {  	_ =	shalt  }
0x5f: {  	_ =	shalt  }
0x60: {  	_ =	shalt  }
0x61: {  	_ =	shalt  }
0x62: {  	_ =	shalt  }
0x63: {  	_ =	shalt  }
0x64: {  	_ =	shalt  }
0x65: {  	_ =	shalt  }
0x66: {  	_ =	shalt  }
0x67: {  	_ =	shalt  }
0x68: {  	_ =	shalt  }
0x69: {  	_ =	shalt  }
0x6a: {  	_ =	shalt  }
0x6b: {  	_ =	shalt  }
0x6c: {  	_ =	shalt  }
0x6d: {  	_ =	shalt  }
0x6e: {  	_ =	shalt  }
0x6f: {  	_ =	shalt  }
0x70: {  	_ =	shalt  }
0x71: {  	_ =	shalt  }
0x72: {  	_ =	shalt  }
0x73: {  	_ =	shalt  }
0x74: {  	_ =	shalt  }
0x75: {  	_ =	shalt  }
0x76: {  	_ =	shalt  }
0x77: {  	_ =	shalt  }
0x78: {  	_ =	shalt  }
0x79: {  	_ =	shalt  }
0x7a: {  	_ =	shalt  }
0x7b: {  	_ =	shalt  }
0x7c: {  	_ =	shalt  }
0x7d: {  	_ =	shalt  }
0x7e: {  	_ =	shalt  }
0x7f: {  	_ =	shalt  }
0x80: {  	_ =	shalt  }
0x81: {  	_ =	shalt  }
0x82: {  	_ =	shalt  }
0x83: {  	_ =	shalt  }
0x84: {  	_ =	shalt  }
0x85: {  	_ =	shalt  }
0x86: {  	_ =	shalt  }
0x87: {  	_ =	shalt  }
.Lfunc_end0:
.L_simem_size_0:
called_computation_lowered:
.L_overlay_start_0:
0x88: {  	s2 =	sld [smem:$0x3FD9]  }
0x89: {  	s3 =	sld [smem:$0x3FFE];
	_ =	sdelay $0x1  }
0x8a: {  	s1 =	srdreg.scid  }
0x8b: {  	s0 =	sand.u32 $0x1, s1  }
0x8c: {  	s18 =	sshll.u32 s0, $0xA;
	s2 =	sadd.s32 s3, s2  }
0x8d: {  	s3 =	sadd.s32 s2, s18  }
0x8e: {  	[smem:$0x3FC5] =	sst s3  }
0x8f: {  	_ = 	snop  }
0x90: {  	s3 =	sld [smem:$0x3FC8]  }
0x91: {  	s4 =	sld [smem:$0x3FC7]  }
0x92: {  	s5 =	sld [smem:$0x3FD0];
	(tm) =	ssettm $0x1  }
0x93: {  	s6 =	sld [smem:$0x3FFB];
	_ =	sdelay $0x3  }
0x94: {  	_ =	strace s6  }
0x95: {  	s6 =	sld [smem:$0x3FFC];
	_ =	sdelay $0x3  }
0x96: {  	_ =	strace s6  }
0x97: {  	s6 =	sld [smem:$0x3FFD];
	_ =	sdelay $0x3  }
0x98: {  	_ =	strace s6  }
0x99: {  	_ =	strace $0x8FFFFFFF  }
0x9a: {  	s19 =	sld [smem:$0x3FDB];
	_ =	sdelay $0x1  }
0x9b: {  	s7 =	simm.s32 $_scs_section_size  }
0x9c: {  	s8 =	simm.s32 $_size__tile_overlayer_lowered;
	s9 =	simm.s32 $_tile_overlayer_lowered  }
0x9d: {  	s22 =	simm.s32 $0x1BFF;
	s21 =	sshll.u32 s9, $0x1;
	s6 =	sadd.s32 s7, s19  }
0x9e: {  	s10 =	simm.s32 $0x0;
	s20 =	sshll.u32 s8, $0x1;
	s8 =	sadd.s32 s21, s6  }
0x9f: {  	[timem:s10], [sflag:s22] =	dma.local [hbm:s8], s20  }
0xa0: {  	_ =	swait.ge [sflag:s22], s20  }
0xa1: {  	s7 =	ssub.s32 $0x0, s20;
	[sflag:s22] =	ssyncset.done $0x0  }
0xa2: {  	[sflag:s22] =	ssyncadd.s32 s7;
	_ =	sdelay $0x1  }
0xa3: {  	s23 =	simm.s32 $0x1B8B  }
0xa4: {  	_ =	swait.ge [sflag:s23], $0x1  }
0xa5: {  	[sflag:s23] =	ssyncset.done $0x0  }
0xa6: {  	s25 =	simm.s32 $0x1B8E;
	s24 =	sld [smem:$0x3FFE];
	[sflag:s23] =	ssyncadd.s32 $0xFFFFFFFF  }
0xa7: {  	s26 =	simm.s32 $execute0_lowered;
	[smem:$0x3FD2] =	sst s25  }
0xa8: {  	s8 =	sshll.u32 s26, $0x1;
	_ =	strace $0x80000046;
	[dreg:$0x1] =	wrdreg $0xFFFFFFFF  }
0xa9: {  	s28 =	simm.s32 $_size_execute0_lowered;
	s6 =	sadd.s32 s6, s8;
	[dreg:$0x0] =	wrdreg $0x0  }
0xaa: {  	s8 =	sshll.u32 s28, $0x1;
	[dreg:$0x2] =	wrdreg s6  }
0xab: {  	[dreg:$0x3] =	wrdreg s8  }
0xac: {  	[dreg:$0x4] =	wrdreg $0xC0  }
0xad: {  	_ =	task [dreg:s10], $0x5FFFF  }
0xae: {  	[dreg:$0x1] =	wrdreg $0xFFFFFFFF  }
0xaf: {  	[dreg:$0x0] =	wrdreg $0x60  }
0xb0: {  	[dreg:$0x2] =	wrdreg s5  }
0xb1: {  	[dreg:$0x3] =	wrdreg s3  }
0xb2: {  	[dreg:$0x4] =	wrdreg s4  }
0xb3: {  	s2 =	sadd.s32 $0x800, s2;
	[dreg:$0x5] =	wrdreg s24  }
0xb4: {  	[dreg:$0x6] =	wrdreg s2  }
0xb5: {  	[dreg:$0x7] =	wrdreg $0x9  }
0xb6: {  	_ =	task.clear_ibuf [dreg:s10], $0x8FFFF;
	_ =	strace $0x90000046  }
0xb7: {  	s29 =	simm.s32 $0x9;
	_ =	strace $0x80000048  }
0xb8: {  	_ =	swait.ge [sflag:s29], $0x1  }
0xb9: {  	[sflag:s29] =	ssyncadd.s32 $0xFFFFFFFF  }
0xba: {  	_ =	strace $0x90000048  }
0xbb: {  	_ =	sfence  }
0xbc: {  	s30 =	sld [smem:$0x0];
	_ =	sdelay $0x2  }
0xbd: {  	s31 =	sshll.u32 s1, $0xD;
	s1 =	sshrl.u32 s1, $0x2  }
0xbe: {  	s3 =	sand.u32 $0x4000, s31;
	s1 =	sadd.s32 s1, s30  }
0xbf: {  	s0 =	sor.u32 s3, s0;
	s1 =	sshll.u32 s1, $0x11  }
0xc0: {  	s0 =	sor.u32 s1, s0  }
0xc1: {  	s0 =	sadd.s32 $0x8F2B, s0  }
0xc2: {  	[sflag:s0] =	ssyncadd.remote.s32 $0x1  }
0xc3: {  	_ =	sfence.sel $0xFFFF  }
0xc4: {  	[dreg:$0x0] =	wrdreg $0xFFFFFFFF;
	(pc) =	sbr.abs _section_cstart, $3  }
0xc5: {  	[dreg:$0x1] =	wrdreg $0xFFFFFFFF  }
0xc6: {  	_ =	task.clear_ibuf [dreg:s10], $0x2FFFF;
	_ =	strace $0x9FFFFFFF  }
0xc7: {  	(tm) =	ssettm $0x7FFFFFFF  }
tec
execute0_lowered:
.L_overlay_start_1:
0x0: {  	(tag) =	ssettag $0x1  }
0x1: {  	s0 =	rddreg [dreg:$0x0]  }
0x2: {  	s1 =	rddreg [dreg:$0x1]  }
0x3: {  	s2 =	rddreg [dreg:$0x2]  }
0x4: {  	s3 =	srdreg.scid;
	s4 =	rddreg [dreg:$0x3]  }
0x5: {  	s13 =	stileid.u32;
	s19 =	rddreg [dreg:$0x4]  }
0x6: {  	s28 =	simm.s32 $0x3;
	s29 =	simm.s32 $0x6;
	s9 =	smul.u32 $0xC80, s13  }
0x7: {  	s30 =	simm.s32 $0x32;
	s6 =	sand.u32 $0x1, s3;
	s11 =	smul.u32 $0x6400, s13  }
0x8: {  	s21 =	sshll.u32 s13, $0x1;
	s3 =	simm.s32 $0x0;
	s25 =	smul.u32 $0xE0000, s13  }
0x9: {  	s4 =	sadd.s32 $0x400, s4;
	s14 =	sadd.s32 $0x3E80, s2;
	s15 =	smul.u32 $0x700000, s13  }
0xa: {  	p0 =	slt.u32 s13, $0x4;
	p1 =	sgt.u32 s13, $0x4;
	s22 =	smul.u32 $0xC55000, s6  }
0xb: {  	p2 =	sgt.u32 s13, $0x3;
	s5 =	sor.u32 s6, s21;
	s26 =	smul.u32 $0x70000, s6  }
0xc: {  	[smem:$0x7FF] =	sst s3;
	s8 =	ssub.s32 $0x2, s6;
	s6 =	smul.u32 $0x380000, s6  }
0xd: {  	p3 =	sne.s32 @p1 s13, $0x5;
	s13 =	simm.s32 $0x16A00;
	s7 =	smul.u32 $0xE00, s5  }
0xe: {  	_ =	strace $0x80000047;
	s10 =	sshrl.u32 s8, $0x1;
	s23 =	sshrl.u32 s11, $0x3  }
0xf: {  	s24 =	smul.u32 $0x380000, s5;
	s5 =	sadd.s32 s1, s9;
	[dreg:$0x9] =	wrdreg s14  }
0x10: {  	s2 =	sadd.s32 s2, s9;
	p3 =	por p3, !p1;
	s8 =	ssub.s32 s8, s10  }
0x11: {  	s11 =	sadd.s32 s11, s22;
	s10 =	sshrl.u32 s22, $0x3;
	[dreg:$0xb] =	wrdreg s2  }
0x12: {  	s16 =	sadd.s32 s6, s15;
	s0 =	sadd.s32 s0, s7;
	s7 =	sshrl.u32 s24, $0x3  }
0x13: {  	s17 =	sor.u32 $0x13400, s16;
	s6 =	sor.u32 $0x11800, s16;
	s18 =	sor.u32 $0xFC00, s16  }
0x14: {  	s22 =	sor.u32 $0xC400, s16;
	s24 =	sor.u32 $0x8C00, s16;
	[dreg:$0xa] =	wrdreg s10  }
0x15: {  	s31 =	sshrl.u32 s11, $0x3;
	[dreg:$0x6] =	wrdreg s0;
	s0 =	sadd.s32 s1, s23  }
0x16: {  	s2 =	sadd.s32 s4, s7;
	s1 =	sadd.s32 s25, s4;
	s12 =	sadd.s32 $0xC800, s0  }
0x17: {  	s6 =	sshrl.u32 s6, $0x3;
	s0 =	sadd.s32 $0x19000, s0;
	[dreg:$0x7] =	wrdreg s12  }
0x18: {  	s23 =	sor.u32 $0xA800, s16;
	s7 =	sadd.s32 $0x6E400, s2;
	[dreg:$0x8] =	wrdreg s0  }
0x19: {  	s20 =	sadd.s32 s6, s4;
	s6 =	sshrl.u32 s23, $0x3;
	[dreg:$0xc] =	wrdreg s7  }
0x1a: {  	s9 =	sadd.s32 $0x6E780, s2;
	s14 =	sadd.s32 $0x6EE80, s2;
	[dreg:$0xf] =	wrdreg s20  }
0x1b: {  	s15 =	sadd.s32 $0x6F200, s2;
	s23 =	sadd.s32 $0x64000, s11;
	[dreg:$0x15] =	wrdreg s9  }
0x1c: {  	s0 =	sadd.s32 s26, s1;
	s1 =	sshrl.u32 s17, $0x3;
	[dreg:$0x17] =	wrdreg s14  }
0x1d: {  	s7 =	sshrl.u32 s18, $0x3;
	s25 =	sadd.s32 s6, s4;
	[dreg:$0x18] =	wrdreg s15  }
0x1e: {  	s6 =	sor.u32 $0x5400, s16;
	s12 =	sadd.s32 $0x6EB00, s2;
	[dreg:$0xd] =	wrdreg s0  }
0x1f: {  	s17 =	sadd.s32 $0x6F900, s2;
	s18 =	sadd.s32 $0x6FC80, s2;
	[dreg:$0x12] =	wrdreg s25  }
0x20: {  	s9 =	simm.s32 $0xD400;
	s14 =	simm.s32 $0x18300;
	[dreg:$0x16] =	wrdreg s12  }
0x21: {  	s1 =	sadd.s32 s1, s4;
	s21 =	sadd.s32 s7, s4;
	[dreg:$0x1a] =	wrdreg s17  }
0x22: {  	s7 =	sshrl.u32 s24, $0x3;
	s0 =	sor.u32 $0x1C00, s16;
	[dreg:$0x1b] =	wrdreg s18  }
0x23: {  	s24 =	sadd.s32 $0xC8000, s11;
	s11 =	simm.s32 $0x7000;
	[dreg:$0xe] =	wrdreg s1  }
0x24: {  	s12 =	simm.s32 $0x15100;
	[dreg:$0x10] =	wrdreg s21;
	s1 =	sshrl.u32 s22, $0x3  }
0x25: {  	s26 =	sadd.s32 s7, s4;
	s7 =	sor.u32 $0x3800, s16;
	s0 =	sshrl.u32 s0, $0x3  }
0x26: {  	s16 =	sadd.s32 $0x6F580, s2;
	s22 =	smax.u32 s8, $0x1;
	s25 =	sshrl.u32 s24, $0x3  }
0x27: {  	s24 =	simm.s32 $0x4;
	s8 =	simm.s32 $0xED00;
	[dreg:$0x13] =	wrdreg s26  }
0x28: {  	s1 =	sadd.s32 s1, s4;
	s21 =	sadd.s32 s0, s4;
	[dreg:$0x19] =	wrdreg s16  }
0x29: {  	[dreg:$0x1c] =	wrdreg s22;
	s0 =	sshrl.u32 s23, $0x3;
	s26 =	sadd.s32 $0x177000, s31  }
0x2a: {  	s22 =	simm.s32 $0x13800;
	s23 =	simm.s32 $0x1;
	s16 =	simm.s32 $0x0  }
0x2b: {  	[dreg:$0x11] =	wrdreg s1;
	s1 =	sshrl.u32 s6, $0x3;
	s6 =	sshrl.u32 s7, $0x3  }
0x2c: {  	s2 =	sadd.s32 s26, s19;
	s26 =	simm.s32 $0x5;
	s7 =	simm.s32 $0xBB00  }
0x2d: {  	s1 =	sadd.s32 s1, s4;
	[dreg:$0x1d] =	wrdreg s2;
	s2 =	sadd.s32 $0x183800, s31  }
0x2e: {  	s20 =	sadd.s32 s6, s4;
	s4 =	sadd.s32 $0x18A880, s10;
	s6 =	simm.s32 $0xA200  }
.Ltmp0:
0x2f: {  	[dreg:$0x14] =	wrdreg s1;
	s2 =	sadd.s32 @!p2 s2, s19;
	(pc) =	sbr.rel .LBB2_1-.Ltmp0, $4  }
0x30: {  	s10 =	simm.s32 $0x10600;
	[dreg:$0x1e] =	wrdreg s2;
	s2 =	sadd.s32 @!p3 s4, s19  }
0x31: {  	s1 =	sadd.s32 s19, s0;
	[dreg:$0x1f] =	wrdreg s2;
	s2 =	sadd.s32 $0x186A00, s31  }
0x32: {  	s0 =	sadd.s32 s19, s25;
	s25 =	simm.s32 $0x2;
	s2 =	sadd.s32 @!p1 s2, s19  }
0x33: {  	s4 =	simm.s32 $0x8900;
	[smem:$0x7FD] =	sst s2;
	s2 =	simm.s32 $0x11F00  }
.LBB2_6:
0x34: {  	_ =	swait.ge [sflag:s23], $0x6400  }
0x35: {  	[sflag:s23] =	ssyncset.done $0x0  }
0x36: {  	s15 =	rddreg [dreg:$0xc];
	[sflag:s23] =	ssyncadd.s32 $0xFFFF9C00  }
0x37: {  	[hbm4b:s15+s3] =	stream.linear.scatter [tilespmem:s11], [sflag:$0x4], $0x1900, $0x38;
	[tilespmem:$0x19C00] =	vst v63  }
0x38: {  	s16 =	rddreg [dreg:$0x15]  }
0x39: {  	[hbm4b:s16+s3] =	stream.linear.scatter [tilespmem:s4], [sflag:$0x4], $0x1900, $0x38;
	[tilespmem:$0x19C00] =	vst v63  }
0x3a: {  	s17 =	rddreg [dreg:$0x16]  }
0x3b: {  	[hbm4b:s17+s3] =	stream.linear.scatter [tilespmem:s6], [sflag:$0x4], $0x1900, $0x38;
	[tilespmem:$0x19C00] =	vst v63  }
0x3c: {  	s18 =	rddreg [dreg:$0x17]  }
0x3d: {  	[hbm4b:s18+s3] =	stream.linear.scatter [tilespmem:s7], [sflag:$0x4], $0x1900, $0x38;
	[tilespmem:$0x19C00] =	vst v63  }
0x3e: {  	_ =	swait.ge [sflag:s25], $0x6400  }
0x3f: {  	[sflag:s25] =	ssyncset.done $0x0  }
0x40: {  	s19 =	rddreg [dreg:$0x18];
	[sflag:s25] =	ssyncadd.s32 $0xFFFF9C00  }
0x41: {  	[hbm4b:s19+s3] =	stream.linear.scatter [tilespmem:s9], [sflag:$0x5], $0x1900, $0x38;
	[tilespmem:$0x19C00] =	vst v63  }
0x42: {  	s16 =	rddreg [dreg:$0x19]  }
0x43: {  	[hbm4b:s16+s3] =	stream.linear.scatter [tilespmem:s8], [sflag:$0x5], $0x1900, $0x38;
	[tilespmem:$0x19C00] =	vst v63  }
0x44: {  	s17 =	rddreg [dreg:$0x1a]  }
0x45: {  	[hbm4b:s17+s3] =	stream.linear.scatter [tilespmem:s10], [sflag:$0x5], $0x1900, $0x38;
	[tilespmem:$0x19C00] =	vst v63  }
0x46: {  	s18 =	rddreg [dreg:$0x1b]  }
0x47: {  	[hbm4b:s18+s3] =	stream.linear.scatter [tilespmem:s2], [sflag:$0x5], $0x1900, $0x38;
	[tilespmem:$0x19C00] =	vst v63  }
0x48: {  	_ =	swait.ge [sflag:s24], $0x6400  }
0x49: {  	[sflag:s24] =	ssyncset.done $0x0  }
0x4a: {  	[sflag:s24] =	ssyncadd.s32 $0xFFFF9C00  }
0x4b: {  	_ =	swait.ge [sflag:s26], $0x6400  }
0x4c: {  	[sflag:s26] =	ssyncset.done $0x0  }
0x4d: {  	[sflag:s26] =	ssyncadd.s32 $0xFFFF9C00  }
0x4e: {  	_ =	swait.ge [sflag:s29], $0x6400  }
0x4f: {  	s16 =	sld [smem:$0x7FC];
	_ =	sdelay $0x2  }
0x50: {  	s19 =	rddreg [dreg:$0x1c];
	s16 =	sadd.s32 $0x1, s16  }
0x51: {  	p4 =	sne.s32 s16, s19  }
.Ltmp1:
0x52: {  	_ = 	snop;
	(pc) =	sbr.rel @!p4 .LBB2_7-.Ltmp1, $4  }
0x53: {  	_ = 	snop  }
0x54: {  	[sflag:s29] =	ssyncset.done $0x0  }
0x55: {  	[sflag:s29] =	ssyncadd.s32 $0xFFFF9C00  }
0x56: {  	s19 =	rddreg [dreg:$0x4]  }
.LBB2_1:
0x57: {  	[smem:$0x7FC] =	sst s16  }
0x58: {  	s15 =	rddreg [dreg:$0x6];
	s16 =	simm.s32 $0x7  }
0x59: {  	[tilespmem:s3], [sflag:$0x7] =	stream.linear.gather [hbm4b:s15+s3], $0x7000, $0x38;
	[tilespmem:$0x19C00] =	vst v63  }
0x5a: {  	_ =	swait.ge [sflag:s16], $0x7000  }
0x5b: {  	[sflag:s16] =	ssyncset.done $0x0  }
0x5c: {  	[sflag:s16] =	ssyncadd.s32 $0xFFFF9000  }
0x5d: {  	[tilespmem:s11], [sflag:$0x1] =	stream.linear.gather [hbm4b:s5+s3], $0x6400, $0x38;
	[tilespmem:$0x19C00] =	vst v63  }
0x5e: {  	s17 =	rddreg [dreg:$0x7]  }
0x5f: {  	[tilespmem:s9], [sflag:$0x2] =	stream.linear.gather [hbm4b:s17+s3], $0x6400, $0x38;
	[tilespmem:$0x19C00] =	vst v63  }
0x60: {  	s15 =	simm.s32 $0x0;
	s18 =	rddreg [dreg:$0x8]  }
0x61: {  	[tilespmem:s22], [sflag:$0x3] =	stream.linear.gather [hbm4b:s18+s3], $0x6400, $0x38;
	[tilespmem:$0x19C00] =	vst v63  }
.LBB2_2:
0x62: {  	_ =	swait.ge [sflag:s23], $0x6400  }
0x63: {  	s16 =	sadd.s32 s19, s31;
	[sflag:s23] =	ssyncset.done $0x0  }
0x64: {  	s16 =	sadd.s32 s15, s16;
	[sflag:s23] =	ssyncadd.s32 $0xFFFF9C00  }
0x65: {  	[hbm4b:s16+s3] =	stream.linear.scatter [tilespmem:s11], [sflag:$0x4], $0x6400, $0x38;
	[tilespmem:$0x19C00] =	vst v63  }
0x66: {  	_ =	swait.ge [sflag:s24], $0x6400  }
0x67: {  	s16 =	sadd.s32 s15, s5;
	[sflag:s24] =	ssyncset.done $0x0  }
0x68: {  	s17 =	sadd.s32 $0x25800, s16;
	[sflag:s24] =	ssyncadd.s32 $0xFFFF9C00  }
0x69: {  	[tilespmem:s11], [sflag:$0x1] =	stream.linear.gather [hbm4b:s17+s3], $0x6400, $0x38;
	[tilespmem:$0x19C00] =	vst v63  }
0x6a: {  	_ =	swait.ge [sflag:s25], $0x6400  }
0x6b: {  	p4 =	seq.s32 @!p0 s15, $0x151800;
	[sflag:s25] =	ssyncset.done $0x0  }
0x6c: {  	s18 =	sadd.s32 s15, s1;
	p4 =	por p0, !p4;
	[sflag:s25] =	ssyncadd.s32 $0xFFFF9C00  }
0x6d: {  	[hbm4b:s18+s3] =	stream.linear.scatter [tilespmem:s9], [sflag:$0x5], $0x6400, $0x38;
	[tilespmem:$0x19C00] =	vst v63  }
0x6e: {  	_ =	swait.ge @p4 [sflag:s26], $0x6400  }
0x6f: {  	[sflag:s26] =	ssyncset.done @p4 $0x0  }
0x70: {  	s16 =	sadd.s32 @p4 $0x32000, s16;
	[sflag:s26] =	ssyncadd.s32 @p4 $0xFFFF9C00  }
0x71: {  	[tilespmem:s9], [sflag:$0x2] =	stream.linear.gather @p4 [hbm4b:s16+s3], $0x6400, $0x38;
	[tilespmem:$0x19C00] =	vst v63  }
0x72: {  	_ =	swait.ge [sflag:s28], $0x6400  }
0x73: {  	p4 =	seq.s32 s15, $0x151800;
	[sflag:s28] =	ssyncset.done $0x0  }
0x74: {  	s18 =	sadd.s32 s15, s0;
	s16 =	simm.s32 @!p4 $0x6;
	[sflag:s28] =	ssyncadd.s32 $0xFFFF9C00  }
0x75: {  	[hbm4b:s18+s3] =	stream.linear.scatter [tilespmem:s22], [sflag:$0x6], $0x6400, $0x38;
	[tilespmem:$0x19C00] =	vst v63  }
0x76: {  	_ =	swait.ge @!p4 [sflag:s16], $0x6400  }
0x77: {  	s17 =	simm.s32 @!p4 $0x0;
	[sflag:s16] =	ssyncset.done @!p4 $0x0  }
0x78: {  	[sflag:s16] =	ssyncadd.s32 @!p4 $0xFFFF9C00;
	s16 =	sadd.s32 @!p4 s15, s5;
	s15 =	sadd.s32 @!p4 $0x25800, s15  }
0x79: {  	s18 =	simm.s32 @!p4 $0x13800;
	s16 =	sadd.s32 @!p4 $0x3E800, s16;
	p5 =	sne.s32 @!p4 s15, $0x177000  }
0x7a: {  	[tilespmem:s18], [sflag:$0x3] =	stream.linear.gather @!p4 [hbm4b:s16+s17], $0x6400, $0x38;
	[tilespmem:$0x19C00] =	vst v63  }
0x7b: {  	p4 =	por p4, !p5  }
.Ltmp2:
0x7c: {  	_ = 	snop;
	(pc) =	sbr.rel @!p4 .LBB2_2-.Ltmp2, $1  }
0x7d: {  	_ =	sdelay $0x3  }
0x7e: {  	_ =	swait.ge [sflag:s23], $0x6400  }
0x7f: {  	[sflag:s23] =	ssyncset.done $0x0  }
0x80: {  	s15 =	rddreg [dreg:$0x1d];
	[sflag:s23] =	ssyncadd.s32 $0xFFFF9C00  }
0x81: {  	[hbm4b:s15+s3] =	stream.linear.scatter [tilespmem:s11], [sflag:$0x4], $0x6400, $0x38;
	[tilespmem:$0x19C00] =	vst v63  }
0x82: {  	s15 =	simm.s32 @!p2 $0x2  }
0x83: {  	_ =	swait.ge @!p2 [sflag:s15], $0x6400  }
0x84: {  	s16 =	simm.s32 @!p2 $0xD400;
	[sflag:s15] =	ssyncset.done @!p2 $0x0  }
0x85: {  	s17 =	rddreg [dreg:$0x1e];
	[sflag:s15] =	ssyncadd.s32 @!p2 $0xFFFF9C00;
	s15 =	simm.s32 @!p2 $0x0  }
0x86: {  	[hbm4b:s17+s15] =	stream.linear.scatter @!p2 [tilespmem:s16], [sflag:$0x5], $0x6400, $0x38;
	[tilespmem:$0x19C00] =	vst v63  }
0x87: {  	_ =	swait.ge [sflag:s24], $0x6400  }
0x88: {  	[sflag:s24] =	ssyncset.done $0x0  }
0x89: {  	[sflag:s24] =	ssyncadd.s32 $0xFFFF9C00  }
0x8a: {  	_ =	swait.ge [sflag:s26], $0x6400  }
0x8b: {  	[sflag:s26] =	ssyncset.done $0x0  }
0x8c: {  	[sflag:s26] =	ssyncadd.s32 $0xFFFF9C00  }
0x8d: {  	_ =	swait.ge [sflag:s29], $0x6400  }
0x8e: {  	s15 =	simm.s32 @!p3 $0x0;
	[sflag:s29] =	ssyncset.done $0x0  }
0x8f: {  	s16 =	simm.s32 @!p3 $0x7000;
	s17 =	rddreg [dreg:$0x9];
	[sflag:s29] =	ssyncadd.s32 $0xFFFF9C00  }
0x90: {  	[tilespmem:s16], [sflag:$0x7] =	stream.linear.gather @!p3 [hbm4b:s17+s15], $0xC00, $0x38;
	[tilespmem:$0x19C00] =	vst v63  }
0x91: {  	s17 =	simm.s32 @!p3 $0x7  }
0x92: {  	_ =	swait.ge @!p3 [sflag:s17], $0xC00  }
0x93: {  	[sflag:s17] =	ssyncset.done @!p3 $0x0  }
0x94: {  	s18 =	rddreg [dreg:$0x1f];
	[sflag:s17] =	ssyncadd.s32 @!p3 $0xFFFFF400  }
0x95: {  	[hbm4b:s18+s15] =	stream.linear.scatter @!p3 [tilespmem:s16], [sflag:$0x7], $0xC00, $0x38;
	[tilespmem:$0x19C00] =	vst v63  }
0x96: {  	_ =	swait.ge @!p3 [sflag:s17], $0xC00  }
0x97: {  	s15 =	simm.s32 @!p1 $0x0;
	[sflag:s17] =	ssyncset.done @!p3 $0x0  }
0x98: {  	s16 =	simm.s32 @!p1 $0x7000;
	[sflag:s17] =	ssyncadd.s32 @!p3 $0xFFFFF400;
	s17 =	rddreg [dreg:$0xb]  }
0x99: {  	[tilespmem:s16], [sflag:$0x7] =	stream.linear.gather @!p1 [hbm4b:s17+s15], $0x6400, $0x38;
	[tilespmem:$0x19C00] =	vst v63  }
0x9a: {  	s17 =	simm.s32 @!p1 $0x7  }
0x9b: {  	_ =	swait.ge @!p1 [sflag:s17], $0x6400  }
0x9c: {  	s18 =	sld [smem:$0x7FD]  }
0x9d: {  	[sflag:s17] =	ssyncset.done @!p1 $0x0  }
0x9e: {  	[sflag:s17] =	ssyncadd.s32 @!p1 $0xFFFF9C00  }
0x9f: {  	[hbm4b:s18+s15] =	stream.linear.scatter @!p1 [tilespmem:s16], [sflag:$0x7], $0x6400, $0x38;
	[tilespmem:$0x19C00] =	vst v63  }
0xa0: {  	_ =	swait.ge @!p1 [sflag:s17], $0x6400  }
0xa1: {  	[sflag:s17] =	ssyncset.done @!p1 $0x0  }
0xa2: {  	[sflag:s17] =	ssyncadd.s32 @!p1 $0xFFFF9C00  }
0xa3: {  	[bflag:$0x0] =	sbarrier.arrive $0xFFFF  }
0xa4: {  	s18 =	rddreg [dreg:$0xa]  }
0xa5: {  	s16 =	simm.s32 $0x0;
	s15 =	sadd.s32 s18, s19  }
0xa6: {  	[tilespmem:s11], [sflag:$0x1] =	stream.indirect.gather [hbm4b:s15+s30], $0x80, s16, s30, $0xb8;
	[tilespmem:$0x19C00] =	vst v63  }
0xa7: {  	s19 =	simm.s32 $0x38  }
0xa8: {  	[tilespmem:s4], [sflag:$0x1] =	stream.indirect.gather [hbm4b:s15+s30], $0x80, s19, s30, $0xb8;
	[tilespmem:$0x19C00] =	vst v63  }
0xa9: {  	s18 =	simm.s32 $0x70  }
0xaa: {  	[tilespmem:s6], [sflag:$0x1] =	stream.indirect.gather [hbm4b:s15+s30], $0x80, s18, s30, $0xb8;
	[tilespmem:$0x19C00] =	vst v63  }
0xab: {  	s19 =	simm.s32 $0xA8  }
0xac: {  	[tilespmem:s7], [sflag:$0x1] =	stream.indirect.gather [hbm4b:s15+s30], $0x80, s19, s30, $0xb8;
	[tilespmem:$0x19C00] =	vst v63  }
0xad: {  	s18 =	simm.s32 $0xE0  }
0xae: {  	[tilespmem:s9], [sflag:$0x2] =	stream.indirect.gather [hbm4b:s15+s30], $0x80, s18, s30, $0xb8;
	[tilespmem:$0x19C00] =	vst v63  }
0xaf: {  	s19 =	simm.s32 $0x118  }
0xb0: {  	[tilespmem:s8], [sflag:$0x2] =	stream.indirect.gather [hbm4b:s15+s30], $0x80, s19, s30, $0xb8;
	[tilespmem:$0x19C00] =	vst v63  }
0xb1: {  	s18 =	simm.s32 $0x150  }
0xb2: {  	[tilespmem:s10], [sflag:$0x2] =	stream.indirect.gather [hbm4b:s15+s30], $0x80, s18, s30, $0xb8;
	[tilespmem:$0x19C00] =	vst v63  }
0xb3: {  	s19 =	simm.s32 $0x188  }
0xb4: {  	[tilespmem:s2], [sflag:$0x2] =	stream.indirect.gather [hbm4b:s15+s30], $0x80, s19, s30, $0xb8;
	[tilespmem:$0x19C00] =	vst v63  }
0xb5: {  	s18 =	simm.s32 $0x1C0  }
0xb6: {  	[tilespmem:s22], [sflag:$0x3] =	stream.indirect.gather [hbm4b:s15+s30], $0x80, s18, s30, $0xb8;
	[tilespmem:$0x19C00] =	vst v63  }
0xb7: {  	s19 =	simm.s32 $0x1F8  }
0xb8: {  	[tilespmem:s12], [sflag:$0x3] =	stream.indirect.gather [hbm4b:s15+s30], $0x80, s19, s30, $0xb8;
	[tilespmem:$0x19C00] =	vst v63  }
0xb9: {  	s18 =	simm.s32 $0x230  }
0xba: {  	[tilespmem:s13], [sflag:$0x3] =	stream.indirect.gather [hbm4b:s15+s30], $0x80, s18, s30, $0xb8;
	[tilespmem:$0x19C00] =	vst v63  }
0xbb: {  	s17 =	simm.s32 $0x508;
	s19 =	simm.s32 $0x268  }
0xbc: {  	[tilespmem:s14], [sflag:$0x3] =	stream.indirect.gather [hbm4b:s15+s30], $0x80, s19, s30, $0xb8;
	[tilespmem:$0x19C00] =	vst v63  }
.LBB2_4:
0xbd: {  	_ =	swait.ge [sflag:s23], $0x6400  }
0xbe: {  	[sflag:s23] =	ssyncset.done $0x0;
	s18 =	rddreg [dreg:$0xd]  }
0xbf: {  	[sflag:s23] =	ssyncadd.s32 $0xFFFF9C00;
	s18 =	sadd.s32 s16, s18  }
0xc0: {  	[hbm4b:s18+s3] =	stream.linear.scatter [tilespmem:s11], [sflag:$0x4], $0x1900, $0x38;
	[tilespmem:$0x19C00] =	vst v63  }
0xc1: {  	s19 =	sadd.s32 s16, s21  }
0xc2: {  	[hbm4b:s19+s3] =	stream.linear.scatter [tilespmem:s4], [sflag:$0x4], $0x1900, $0x38;
	[tilespmem:$0x19C00] =	vst v63  }
0xc3: {  	s19 =	sadd.s32 s16, s20  }
0xc4: {  	[hbm4b:s19+s3] =	stream.linear.scatter [tilespmem:s6], [sflag:$0x4], $0x1900, $0x38;
	[tilespmem:$0x19C00] =	vst v63  }
0xc5: {  	s19 =	rddreg [dreg:$0x14]  }
0xc6: {  	s19 =	sadd.s32 s16, s19  }
0xc7: {  	[hbm4b:s19+s3] =	stream.linear.scatter [tilespmem:s7], [sflag:$0x4], $0x1900, $0x38;
	[tilespmem:$0x19C00] =	vst v63  }
0xc8: {  	_ =	swait.ge [sflag:s24], $0x6400  }
0xc9: {  	[sflag:s24] =	ssyncset.done $0x0  }
0xca: {  	s19 =	sadd.s32 $0xFFFFFD98, s17;
	[sflag:s24] =	ssyncadd.s32 $0xFFFF9C00  }
0xcb: {  	[tilespmem:s11], [sflag:$0x1] =	stream.indirect.gather [hbm4b:s15+s30], $0x80, s19, s30, $0xb8;
	[tilespmem:$0x19C00] =	vst v63  }
0xcc: {  	s19 =	sadd.s32 $0xFFFFFDD0, s17  }
0xcd: {  	[tilespmem:s4], [sflag:$0x1] =	stream.indirect.gather [hbm4b:s15+s30], $0x80, s19, s30, $0xb8;
	[tilespmem:$0x19C00] =	vst v63  }
0xce: {  	s19 =	sadd.s32 $0xFFFFFE08, s17  }
0xcf: {  	[tilespmem:s6], [sflag:$0x1] =	stream.indirect.gather [hbm4b:s15+s30], $0x80, s19, s30, $0xb8;
	[tilespmem:$0x19C00] =	vst v63  }
0xd0: {  	s19 =	sadd.s32 $0xFFFFFE40, s17  }
0xd1: {  	[tilespmem:s7], [sflag:$0x1] =	stream.indirect.gather [hbm4b:s15+s30], $0x80, s19, s30, $0xb8;
	[tilespmem:$0x19C00] =	vst v63  }
0xd2: {  	_ =	swait.ge [sflag:s25], $0x6400  }
0xd3: {  	[sflag:s25] =	ssyncset.done $0x0  }
0xd4: {  	s19 =	sadd.s32 $0xE00, s18;
	[sflag:s25] =	ssyncadd.s32 $0xFFFF9C00  }
0xd5: {  	[hbm4b:s19+s3] =	stream.linear.scatter [tilespmem:s9], [sflag:$0x5], $0x1900, $0x38;
	[tilespmem:$0x19C00] =	vst v63  }
0xd6: {  	s19 =	rddreg [dreg:$0x13]  }
0xd7: {  	s19 =	sadd.s32 s16, s19  }
0xd8: {  	[hbm4b:s19+s3] =	stream.linear.scatter [tilespmem:s8], [sflag:$0x5], $0x1900, $0x38;
	[tilespmem:$0x19C00] =	vst v63  }
0xd9: {  	s19 =	rddreg [dreg:$0x12]  }
0xda: {  	s19 =	sadd.s32 s16, s19  }
0xdb: {  	[hbm4b:s19+s3] =	stream.linear.scatter [tilespmem:s10], [sflag:$0x5], $0x1900, $0x38;
	[tilespmem:$0x19C00] =	vst v63  }
0xdc: {  	s19 =	rddreg [dreg:$0x11]  }
0xdd: {  	s19 =	sadd.s32 s16, s19  }
0xde: {  	[hbm4b:s19+s3] =	stream.linear.scatter [tilespmem:s2], [sflag:$0x5], $0x1900, $0x38;
	[tilespmem:$0x19C00] =	vst v63  }
0xdf: {  	_ =	swait.ge [sflag:s26], $0x6400  }
0xe0: {  	[sflag:s26] =	ssyncset.done $0x0  }
0xe1: {  	s19 =	sadd.s32 $0xFFFFFE78, s17;
	[sflag:s26] =	ssyncadd.s32 $0xFFFF9C00  }
0xe2: {  	[tilespmem:s9], [sflag:$0x2] =	stream.indirect.gather [hbm4b:s15+s30], $0x80, s19, s30, $0xb8;
	[tilespmem:$0x19C00] =	vst v63  }
0xe3: {  	s19 =	sadd.s32 $0xFFFFFEB0, s17  }
0xe4: {  	[tilespmem:s8], [sflag:$0x2] =	stream.indirect.gather [hbm4b:s15+s30], $0x80, s19, s30, $0xb8;
	[tilespmem:$0x19C00] =	vst v63  }
0xe5: {  	s19 =	sadd.s32 $0xFFFFFEE8, s17  }
0xe6: {  	[tilespmem:s10], [sflag:$0x2] =	stream.indirect.gather [hbm4b:s15+s30], $0x80, s19, s30, $0xb8;
	[tilespmem:$0x19C00] =	vst v63  }
0xe7: {  	s19 =	sadd.s32 $0xFFFFFF20, s17  }
0xe8: {  	[tilespmem:s2], [sflag:$0x2] =	stream.indirect.gather [hbm4b:s15+s30], $0x80, s19, s30, $0xb8;
	[tilespmem:$0x19C00] =	vst v63  }
0xe9: {  	_ =	swait.ge [sflag:s28], $0x6400  }
0xea: {  	[sflag:s28] =	ssyncset.done $0x0  }
0xeb: {  	s18 =	sadd.s32 $0x1C00, s18;
	s19 =	rddreg [dreg:$0x10];
	[sflag:s28] =	ssyncadd.s32 $0xFFFF9C00  }
0xec: {  	[hbm4b:s18+s3] =	stream.linear.scatter [tilespmem:s22], [sflag:$0x6], $0x1900, $0x38;
	[tilespmem:$0x19C00] =	vst v63  }
0xed: {  	p4 =	seq.s32 s16, $0x6BA00;
	s18 =	sadd.s32 s16, s19  }
0xee: {  	[hbm4b:s18+s3] =	stream.linear.scatter [tilespmem:s12], [sflag:$0x6], $0x1900, $0x38;
	[tilespmem:$0x19C00] =	vst v63  }
.Ltmp3:
0xef: {  	s19 =	rddreg [dreg:$0xf];
	(pc) =	sbr.rel @p4 .LBB2_6-.Ltmp3, $4  }
0xf0: {  	s18 =	sadd.s32 s16, s19;
	s19 =	rddreg [dreg:$0xe]  }
0xf1: {  	[hbm4b:s18+s3] =	stream.linear.scatter [tilespmem:s13], [sflag:$0x6], $0x1900, $0x38;
	[tilespmem:$0x19C00] =	vst v63  }
0xf2: {  	s18 =	sadd.s32 s16, s19  }
0xf3: {  	[hbm4b:s18+s3] =	stream.linear.scatter [tilespmem:s14], [sflag:$0x6], $0x1900, $0x38;
	[tilespmem:$0x19C00] =	vst v63  }
0xf4: {  	_ =	swait.ge [sflag:s29], $0x6400  }
0xf5: {  	[sflag:s29] =	ssyncset.done $0x0  }
0xf6: {  	s18 =	sadd.s32 $0xFFFFFF58, s17;
	[sflag:s29] =	ssyncadd.s32 $0xFFFF9C00  }
0xf7: {  	[tilespmem:s22], [sflag:$0x3] =	stream.indirect.gather [hbm4b:s15+s30], $0x80, s18, s30, $0xb8;
	[tilespmem:$0x19C00] =	vst v63  }
0xf8: {  	s19 =	sadd.s32 $0xFFFFFF90, s17  }
0xf9: {  	[tilespmem:s12], [sflag:$0x3] =	stream.indirect.gather [hbm4b:s15+s30], $0x80, s19, s30, $0xb8;
	[tilespmem:$0x19C00] =	vst v63  }
.Ltmp4:
0xfa: {  	s19 =	sadd.s32 $0xFFFFFFC8, s17;
	(pc) =	sbr.rel .LBB2_4-.Ltmp4, $4  }
0xfb: {  	[tilespmem:s13], [sflag:$0x3] =	stream.indirect.gather [hbm4b:s15+s30], $0x80, s19, s30, $0xb8;
	[tilespmem:$0x19C00] =	vst v63  }
0xfc: {  	_ = 	snop  }
0xfd: {  	[tilespmem:s14], [sflag:$0x3] =	stream.indirect.gather [hbm4b:s15+s30], $0x80, s17, s30, $0xb8;
	[tilespmem:$0x19C00] =	vst v63  }
0xfe: {  	s16 =	sadd.s32 $0x2A00, s16;
	s17 =	sadd.s32 $0x2A0, s17  }
.LBB2_7:
0xff: {  	_ =	sfence.sel $0x180000  }
0x100: {  	[bflag:$0x0] =	sbarrier.arrive $0xFFFF  }
0x101: {  	_ =	strace $0x90000047  }
0x102: {  	s0 =	stileid.u32;
	[bflag:$0x2] =	sbarrier.arrive $0xFFFF  }
0x103: {  	p0 =	sne.s32 s0, $0x0;
	s0 =	rddreg [dreg:$0x5]  }
0x104: {  	s0 =	sadd.s32 @!p0 $0x100000, s0  }
0x105: {  	[sflag:s0] =	ssyncadd.tile.s32 @!p0 $0x1;
	_ =	shalt  }
.Lfunc_end2:
_tile_overlayer_lowered:
.L_overlay_start_2:
0x106: {  	(tag) =	ssettag $0x2  }
0x107: {  	s0 =	rddreg [dreg:$0x0];
	s2 =	stileid.u32  }
0x108: {  	s1 =	rddreg [dreg:$0x1];
	p0 =	sne.s32 s2, $0x0  }
0x109: {  	s3 =	rddreg [dreg:$0x2];
	[bflag:$0x3] =	sbarrier.arrive $0xFFFF;
	s2 =	simm.s32 @!p0 $0x1C07  }
0x10a: {  	[timem:s3], [sflag:s2] =	dma.local @!p0 [hbm:s0], s1  }
0x10b: {  	s0 =	simm.s32 @!p0 $0x7  }
0x10c: {  	_ =	swait.ge @!p0 [sflag:s0], s1  }
0x10d: {  	s1 =	ssub.s32 @!p0 $0x0, s1;
	[sflag:s0] =	ssyncset.done @!p0 $0x0  }
0x10e: {  	[sflag:s0] =	ssyncadd.s32 @!p0 s1  }
0x10f: {  	[bflag:$0x3] =	sbarrier.arrive $0xFFFF  }
0x110: {  	_ =	shalt  }

</sc_bundles>
